<compile_context>
chip_gen: v7x
topology: tpu7x:2x2x1
jax: 0.10.2.dev20260603
libtpu: 0.0.44.dev20260713+nightly
codegen_flags: <defaults>
</compile_context>

<pallas_src>
import functools

import jax
import jax.numpy as jnp
from jax import lax
from jax.experimental import pallas as pl
from jax.experimental.pallas import tpu as pltpu
from jax.experimental.pallas import tpu_sc as plsc

KV = 27
E_PER_K = 23000
C = 128
EPS = 1e-5
N_VOX = 50000

NC = 2
NS = 16

EPK_PAD = 23040
E_FLAT = KV * EPK_PAD
E_PAD = 627200
BIG = 1 << 30

RANGE = 12544
N_OUT = 4 * RANGE
DUMP = RANGE
ACC_ROWS = RANGE + 16
ROWS_PER_TILE = RANGE // NS

MM_BLK = 512
MM_J = EPK_PAD // MM_BLK

_mesh = plsc.VectorSubcoreMesh(
    core_axis_name="c", subcore_axis_name="s", num_cores=NC, num_subcores=NS)
_sc_params = pltpu.CompilerParams(needs_layout_passes=False)

GCH = 112
GSLOTS = 5
GBLK = GCH * GSLOTS
@functools.partial(
    pl.kernel,
    mesh=_mesh,
    out_type=jax.ShapeDtypeStruct((E_PAD, C), jnp.float32),
    scratch_types=[
        pltpu.VMEM((GBLK,), jnp.int32),
        pltpu.VMEM((GBLK, C), jnp.float32),
        pltpu.SemaphoreType.DMA,
    ] + [pltpu.SemaphoreType.DMA] * GSLOTS,
    compiler_params=_sc_params,
)
def _sc_gather(feat_hbm, src_hbm, out_hbm, idx_v, rows_v, gsem, *ssems):
    wid = lax.axis_index("s") * NC + lax.axis_index("c")
    n_blk = E_PAD // (NC * NS * GBLK)
    base = wid * n_blk * GBLK

    def body(i, carry):
        off = base + i * GBLK
        pltpu.sync_copy(src_hbm.at[pl.ds(off, GBLK)], idx_v)
        cps = []
        for b in range(GSLOTS):
            @pl.when(i > 0)
            def _(b=b):
                pltpu.make_async_copy(
                    out_hbm.at[pl.ds(0, GCH)],
                    rows_v.at[pl.ds(b * GCH, GCH)], ssems[b]).wait()
            cps.append(pltpu.async_copy(
                feat_hbm.at[idx_v.at[pl.ds(b * GCH, GCH)]],
                rows_v.at[pl.ds(b * GCH, GCH)], gsem))
        for b in range(GSLOTS):
            cps[b].wait()
            pltpu.async_copy(rows_v.at[pl.ds(b * GCH, GCH)],
                             out_hbm.at[pl.ds(off + b * GCH, GCH)], ssems[b])
        return carry

    lax.fori_loop(0, n_blk, body, 0)
    for b in range(GSLOTS):
        pltpu.make_async_copy(out_hbm.at[pl.ds(0, GCH)],
                              rows_v.at[pl.ds(b * GCH, GCH)], ssems[b]).wait()


def _mm_body(g_ref, w_ref, o_ref):
    o_ref[...] = jnp.dot(g_ref[...].astype(jnp.bfloat16), w_ref[0],
                         preferred_element_type=jnp.float32)


def _batched_mm(gathered, weight):
    return pl.pallas_call(
        _mm_body,
        grid=(KV, MM_J),
        in_specs=[
            pl.BlockSpec((MM_BLK, C), lambda k, j: (k * MM_J + j, 0)),
            pl.BlockSpec((1, C, C), lambda k, j: (k, 0, 0)),
        ],
        out_specs=pl.BlockSpec((MM_BLK, C), lambda k, j: (k * MM_J + j, 0)),
        out_shape=jax.ShapeDtypeStruct((E_PAD, C), jnp.float32),
    )(gathered, weight)


SCH = 112
IDXBLK = 1568


@functools.partial(
    pl.kernel,
    mesh=_mesh,
    out_type=jax.ShapeDtypeStruct((N_OUT, C), jnp.float32),
    scratch_types=[
        pltpu.VMEM((IDXBLK,), jnp.int32),
        pltpu.VMEM((SCH,), jnp.int32),
        pltpu.VMEM((SCH,), jnp.int32),
        pltpu.VMEM((SCH, C), jnp.float32),
        pltpu.VMEM((SCH, C), jnp.float32),
        pltpu.VMEM_SHARED((ACC_ROWS, C), jnp.float32),
        pltpu.SemaphoreType.DMA,
        pltpu.SemaphoreType.DMA,
        pltpu.SemaphoreType.DMA,
        pltpu.SemaphoreType.DMA,
    ],
    compiler_params=_sc_params,
)
def _sc_scatter(msgs_hbm, dst_hbm, zeros_hbm, out_hbm,
                idx_v, ld0, ld1, rows0, rows1, acc,
                rsem0, rsem1, ssem0, ssem1):
    cid = lax.axis_index("c")
    sid = lax.axis_index("s")
    per_tile = E_PAD // NS
    n_blk = per_tile // IDXBLK
    ebase = sid * per_tile
    dump16 = jnp.full((16,), DUMP, jnp.int32)
    slots = ((ld0, rows0, rsem0, ssem0), (ld1, rows1, rsem1, ssem1))

    for p in range(2):
        rng = 2 * p + cid
        lo = rng * RANGE

        pltpu.sync_copy(zeros_hbm, acc.at[pl.ds(sid * ROWS_PER_TILE,
                                                ROWS_PER_TILE)])
        plsc.subcore_barrier()

        for ld, rows, _, ssem in slots:
            for u in range(SCH // 16):
                ld[pl.ds(16 * u, 16)] = dump16
            pltpu.async_copy(rows, acc.at[ld], ssem, add=True)

        def chunk(s, par, off):
            ld, rows, rsem, ssem = slots[par]
            local = s * 2 * SCH + par * SCH
            pltpu.make_async_copy(msgs_hbm.at[pl.ds(0, SCH)], rows,
                                  ssem).wait()
            cp = pltpu.async_copy(msgs_hbm.at[pl.ds(off + local, SCH)],
                                  rows, rsem)
            for u in range(SCH // 16):
                d = idx_v[pl.ds(local + 16 * u, 16)]
                ok = (d >= lo) & (d < lo + RANGE)
                ld[pl.ds(16 * u, 16)] = jnp.where(ok, d - lo, DUMP)
            cp.wait()
            pltpu.async_copy(rows, acc.at[ld], ssem, add=True)

        def body(i, carry):
            off = ebase + i * IDXBLK
            pltpu.sync_copy(dst_hbm.at[pl.ds(off, IDXBLK)], idx_v)

            def pair(s, c):
                chunk(s, 0, off)
                chunk(s, 1, off)
                return c

            lax.fori_loop(0, IDXBLK // (2 * SCH), pair, carry)
            return carry

        lax.fori_loop(0, n_blk, body, 0)
        for ld, rows, _, ssem in slots:
            pltpu.make_async_copy(msgs_hbm.at[pl.ds(0, SCH)], rows,
                                  ssem).wait()
        plsc.subcore_barrier()

        pltpu.sync_copy(
            acc.at[pl.ds(sid * ROWS_PER_TILE, ROWS_PER_TILE)],
            out_hbm.at[pl.ds(lo + sid * ROWS_PER_TILE, ROWS_PER_TILE)])
        plsc.subcore_barrier()


def _stats_body(x_ref, s_ref, q_ref):
    pid = pl.program_id(0)
    row = lax.broadcasted_iota(jnp.int32, (MM_BLK, 1), 0) + pid * MM_BLK
    x = jnp.where(row < N_VOX, x_ref[...].astype(jnp.float32), 0.0)

    @pl.when(pid == 0)
    def _():
        s_ref[...] = jnp.zeros_like(s_ref)
        q_ref[...] = jnp.zeros_like(q_ref)

    s_ref[...] += jnp.sum(x, axis=0, keepdims=True)
    q_ref[...] += jnp.sum(x * x, axis=0, keepdims=True)


def _apply_body(x_ref, s_ref, q_ref, w_ref, b_ref, o_ref):
    inv_n = 1.0 / N_VOX
    mean = s_ref[...] * inv_n
    var = q_ref[...] * inv_n - mean * mean
    scale = lax.rsqrt(var + EPS) * w_ref[...]
    o_ref[...] = jnp.maximum(
        (x_ref[...].astype(jnp.float32) - mean) * scale + b_ref[...], 0.0)


def _bn_relu(out_acc, bn_weight, bn_bias):
    nblk = N_OUT // MM_BLK
    s, q = pl.pallas_call(
        _stats_body,
        grid=(nblk,),
        in_specs=[pl.BlockSpec((MM_BLK, C), lambda i: (i, 0))],
        out_specs=[pl.BlockSpec((1, C), lambda i: (0, 0)),
                   pl.BlockSpec((1, C), lambda i: (0, 0))],
        out_shape=[jax.ShapeDtypeStruct((1, C), jnp.float32),
                   jax.ShapeDtypeStruct((1, C), jnp.float32)],
    )(out_acc)
    return pl.pallas_call(
        _apply_body,
        grid=(nblk,),
        in_specs=[
            pl.BlockSpec((MM_BLK, C), lambda i: (i, 0)),
            pl.BlockSpec((1, C), lambda i: (0, 0)),
            pl.BlockSpec((1, C), lambda i: (0, 0)),
            pl.BlockSpec((1, C), lambda i: (0, 0)),
            pl.BlockSpec((1, C), lambda i: (0, 0)),
        ],
        out_specs=pl.BlockSpec((MM_BLK, C), lambda i: (i, 0)),
        out_shape=jax.ShapeDtypeStruct((N_OUT, C), jnp.float32),
    )(out_acc, s, q, bn_weight.reshape(1, C), bn_bias.reshape(1, C))


def kernel(input_feat, input_coord, input_cmap, input_kmap, weight,
           bn_weight, bn_bias):
    src = input_kmap[0].reshape(KV, E_PER_K)
    dst = input_kmap[1].reshape(KV, E_PER_K)

    src_p = jnp.zeros((KV, EPK_PAD), jnp.int32).at[:, :E_PER_K].set(src)
    src_p = jnp.concatenate(
        [src_p.reshape(-1), jnp.zeros((E_PAD - E_FLAT,), jnp.int32)])
    dst_p = jnp.full((KV, EPK_PAD), BIG, jnp.int32).at[:, :E_PER_K].set(dst)
    dst_p = jnp.concatenate(
        [dst_p.reshape(-1), jnp.full((E_PAD - E_FLAT,), BIG, jnp.int32)])

    gathered = _sc_gather(input_feat, src_p)
    msgs = _batched_mm(gathered, weight.astype(jnp.bfloat16))
    zeros = jnp.zeros((ROWS_PER_TILE, C), jnp.float32)
    out_acc = _sc_scatter(msgs, dst_p, zeros)
    y = _bn_relu(out_acc, bn_weight, bn_bias)
    return y[:N_VOX]

# --- scband reference (transcript-rebuilt; emitter-appended) ---
"""Pipeline reference for scband-conv3d-wbn-77799037600003 (READ-ONLY COPY).

The authoritative reference and input builder live on the scoring server;
editing this copy changes nothing except your own understanding.
"""

import jax, jax.numpy as jnp
import numpy as np

N = 50000        # active voxels
KV = 27          # kernel volume (3x3x3)
E_PER_K = 23000  # matched pairs per kernel offset
E = KV * E_PER_K # 621000 total gather/scatter pairs
C_IN = 128
C_OUT = 128
EPS = 1e-5


def setup_inputs(seed: int = 0) -> dict:
    key = jax.random.key(seed)
    k1, k2, k3, k4 = jax.random.split(key, 4)
    input_feat = jax.random.normal(k1, (N, C_IN), dtype=jnp.float32)
    input_coord = jax.random.randint(k2, (N, 4), 0, 128, dtype=jnp.int32)
    input_cmap = jnp.arange(N, dtype=jnp.int32)
    # kmap row 0: input (src) voxel index, row 1: output (dst) voxel index.
    # Edge e belongs to kernel offset e // E_PER_K.
    input_kmap = jax.random.randint(k3, (2, E), 0, N, dtype=jnp.int32)
    # Learned params sized per init_kwargs
    std = 1.0 / np.sqrt(C_IN * KV)
    weight = jax.random.normal(k4, (KV, C_IN, C_OUT), dtype=jnp.float32) * std
    bn_weight = jnp.ones((C_OUT,), dtype=jnp.float32)
    bn_bias = jnp.zeros((C_OUT,), dtype=jnp.float32)
    return {
        "input_feat": input_feat,
        "input_coord": input_coord,
        "input_cmap": input_cmap,
        "input_kmap": input_kmap,
        "weight": weight,
        "bn_weight": bn_weight,
        "bn_bias": bn_bias,
    }


def reference(input_feat, input_coord, input_cmap, input_kmap, weight, bn_weight, bn_bias):
    # Sparse 3D conv as gather -> per-offset GEMM -> scatter-add (message passing),
    # fused with training-mode BatchNorm and ReLU (conv3dwbn semantics, bias=False).
    src = input_kmap[0].reshape(KV, E_PER_K)
    dst = input_kmap[1].reshape(KV, E_PER_K)
    gathered = jnp.take(input_feat, src, axis=0)              # [KV, E_PER_K, C_IN]
    msgs = jnp.einsum('kec,kcd->ked', gathered, weight)       # [KV, E_PER_K, C_OUT]
    out = jnp.zeros((N, C_OUT), dtype=jnp.float32).at[dst.reshape(-1)].add(
        msgs.reshape(-1, C_OUT))                              # scatter-add over dst voxels
    # BatchNorm over voxel dimension (training mode: batch statistics)
    mean = jnp.mean(out, axis=0)
    var = jnp.mean((out - mean) ** 2, axis=0)
    out = (out - mean) * jax.lax.rsqrt(var + EPS) * bn_weight + bn_bias
    # ReLU
    out = jax.nn.relu(out)
    return out

if __name__ == "__main__":
    import jax
    _d = setup_inputs()
    print(jax.jit(kernel)(*tuple(_d.values())))

</pallas_src>

<mosaic_0001>
#map = affine_map<(d0, d1) -> (0, 0)>
#map1 = affine_map<(d0, d1) -> (0)>
module attributes {stable_mosaic.version = 14 : i64} {
  func.func @_sc_gather(%arg0: i32, %arg1: i32, %arg2: memref<50000x128xf32, #tpu.memory_space<hbm>>, %arg3: memref<627200xi32, #tpu.memory_space<hbm>>, %arg4: memref<627200x128xf32, #tpu.memory_space<hbm>>, %arg5: memref<560xi32, #tpu.memory_space<vmem>>, %arg6: memref<560x128xf32, #tpu.memory_space<vmem>>, %arg7: memref<!tpu.dma_semaphore, #tpu.memory_space<semaphore_mem>>, %arg8: memref<!tpu.dma_semaphore, #tpu.memory_space<semaphore_mem>>, %arg9: memref<!tpu.dma_semaphore, #tpu.memory_space<semaphore_mem>>, %arg10: memref<!tpu.dma_semaphore, #tpu.memory_space<semaphore_mem>>, %arg11: memref<!tpu.dma_semaphore, #tpu.memory_space<semaphore_mem>>, %arg12: memref<!tpu.dma_semaphore, #tpu.memory_space<semaphore_mem>>) attributes {dimension_semantics = [#tpu.dimension_semantics<core_parallel>, #tpu.dimension_semantics<subcore_parallel>], iteration_bounds = array<i64: 2, 16>, scalar_prefetch = 0 : i64, scratch_operands = 8 : i64, tpu.core_type = #tpu.core_type<sc_vector_subcore>, window_params = [{transform_indices = #map}, {transform_indices = #map1}, {transform_indices = #map}]} {
    %mul3A = arith.constant 2 : i32
    %mul3A_0 = arith.muli %arg1, %mul3A : i32
    %add3A = arith.addi %mul3A_0, %arg0 : i32
    %mul3A_1 = arith.constant 35 : i32
    %mul3A_2 = arith.muli %add3A, %mul3A_1 : i32
    %mul3A_3 = arith.constant 560 : i32
    %mul3A_4 = arith.muli %mul3A_2, %mul3A_3 : i32
    %scan3A = arith.constant 0 : i32
    %scan3A_5 = arith.constant 0 : i32
    %scan3A_6 = arith.constant 35 : i32
    %scan3A_7 = arith.addi %scan3A_5, %scan3A_6 : i32
    %scan3A_8 = arith.constant 1 : i32
    scf.for %scan3A_69 = %scan3A_5 to %scan3A_7 step %scan3A_8  : i32 {
      %mul3A_70 = arith.constant 560 : i32
      %mul3A_71 = arith.muli %scan3A_69, %mul3A_70 : i32
      %add3A_72 = arith.addi %mul3A_4, %mul3A_71 : i32
      "tpu.region"() ({
        %run_scoped3A = tpu.sem_alloc : memref<!tpu.dma_semaphore, #tpu.memory_space<semaphore_mem>>
        %dma_start3A_234 = tpu.memref_slice %arg3[%add3A_72] : memref<627200xi32, #tpu.memory_space<hbm>> -> memref<560xi32, #tpu.memory_space<hbm>>
        %dma_start3A_235 = tpu.memref_slice %arg3[%add3A_72] : memref<627200xi32, #tpu.memory_space<hbm>> -> memref<560xi32, #tpu.memory_space<hbm>>
        tpu.enqueue_dma source(%dma_start3A_235 : memref<560xi32, #tpu.memory_space<hbm>>) target(%arg5 : memref<560xi32, #tpu.memory_space<vmem>>) target_semaphore(%run_scoped3A : memref<!tpu.dma_semaphore, #tpu.memory_space<semaphore_mem>>)
        %dma_wait3A_236 = tpu.memref_slice %arg3[%add3A_72] : memref<627200xi32, #tpu.memory_space<hbm>> -> memref<560xi32, #tpu.memory_space<hbm>>
        %dma_wait3A_237 = tpu.memref_slice %arg3[%add3A_72] : memref<627200xi32, #tpu.memory_space<hbm>> -> memref<560xi32, #tpu.memory_space<hbm>>
        tpu.wait_dma2 semaphore(%run_scoped3A : memref<!tpu.dma_semaphore, #tpu.memory_space<semaphore_mem>>) src(%dma_wait3A_237 : memref<560xi32, #tpu.memory_space<hbm>>) dst(%arg5 : memref<560xi32, #tpu.memory_space<vmem>>)
        tpu.yield
      }) : () -> ()
      %gt3A = arith.constant 0 : i32
      %gt3A_73 = arith.cmpi sgt, %scan3A_69, %gt3A : i32
      %convert_element_type3A = arith.extui %gt3A_73 : i1 to i32
      %cond3A = arith.constant 0 : i32
      %cond3A_74 = arith.cmpi ne, %convert_element_type3A, %cond3A : i32
      scf.if %cond3A_74 {
        %dma_wait3A_234 = arith.constant 0 : i32
        %dma_wait3A_235 = arith.constant 0 : i32
        %dma_wait3A_236 = tpu.memref_slice %arg6[%dma_wait3A_234, %dma_wait3A_235] : memref<560x128xf32, #tpu.memory_space<vmem>> -> memref<112x128xf32, #tpu.memory_space<vmem>>
        %dma_wait3A_237 = arith.constant 0 : i32
        %dma_wait3A_238 = arith.constant 0 : i32
        %dma_wait3A_239 = tpu.memref_slice %arg4[%dma_wait3A_237, %dma_wait3A_238] : memref<627200x128xf32, #tpu.memory_space<hbm>> -> memref<112x128xf32, #tpu.memory_space<hbm>>
        %dma_wait3A_240 = arith.constant 0 : i32
        %dma_wait3A_241 = arith.constant 0 : i32
        %dma_wait3A_242 = tpu.memref_slice %arg6[%dma_wait3A_240, %dma_wait3A_241] : memref<560x128xf32, #tpu.memory_space<vmem>> -> memref<112x128xf32, #tpu.memory_space<vmem>>
        %dma_wait3A_243 = arith.constant 0 : i32
        %dma_wait3A_244 = arith.constant 0 : i32
        %dma_wait3A_245 = tpu.memref_slice %arg4[%dma_wait3A_243, %dma_wait3A_244] : memref<627200x128xf32, #tpu.memory_space<hbm>> -> memref<112x128xf32, #tpu.memory_space<hbm>>
        tpu.wait_dma2 semaphore(%arg8 : memref<!tpu.dma_semaphore, #tpu.memory_space<semaphore_mem>>) src(%dma_wait3A_245 : memref<112x128xf32, #tpu.memory_space<hbm>>) dst(%dma_wait3A_242 : memref<112x128xf32, #tpu.memory_space<vmem>>)
      } else {
      }
      %dma_start3A = arith.constant 0 : i32
      %dma_start3A_75 = arith.constant 0 : i32
      %dma_start3A_76 = tpu.memref_slice %arg6[%dma_start3A, %dma_start3A_75] : memref<560x128xf32, #tpu.memory_space<vmem>> -> memref<112x128xf32, #tpu.memory_space<vmem>>
      %dma_start3A_77 = arith.constant 0 : i32
      %dma_start3A_78 = tpu.memref_slice %arg5[%dma_start3A_77] : memref<560xi32, #tpu.memory_space<vmem>> -> memref<112xi32, #tpu.memory_space<vmem>>
      %dma_start3A_79 = arith.constant 0 : i32
      %dma_start3A_80 = arith.constant 0 : i32
      %dma_start3A_81 = tpu.memref_slice %arg2[%dma_start3A_79, %dma_start3A_80] : memref<50000x128xf32, #tpu.memory_space<hbm>> -> memref<50000x128xf32, #tpu.memory_space<hbm>>
      tpu.enqueue_indirect_dma source(%dma_start3A_81 : memref<50000x128xf32, #tpu.memory_space<hbm>>) target(%dma_start3A_76 : memref<112x128xf32, #tpu.memory_space<vmem>>) offsets(%dma_start3A_78 : memref<112xi32, #tpu.memory_space<vmem>>) semaphore(%arg7 : memref<!tpu.dma_semaphore, #tpu.memory_space<semaphore_mem>>)
      %gt3A_82 = arith.constant 0 : i32
      %gt3A_83 = arith.cmpi sgt, %scan3A_69, %gt3A_82 : i32
      %convert_element_type3A_84 = arith.extui %gt3A_83 : i1 to i32
      %cond3A_85 = arith.constant 0 : i32
      %cond3A_86 = arith.cmpi ne, %convert_element_type3A_84, %cond3A_85 : i32
      scf.if %cond3A_86 {
        %dma_wait3A_234 = arith.constant 112 : i32
        %dma_wait3A_235 = arith.constant 0 : i32
        %dma_wait3A_236 = tpu.memref_slice %arg6[%dma_wait3A_234, %dma_wait3A_235] : memref<560x128xf32, #tpu.memory_space<vmem>> -> memref<112x128xf32, #tpu.memory_space<vmem>>
        %dma_wait3A_237 = arith.constant 0 : i32
        %dma_wait3A_238 = arith.constant 0 : i32
        %dma_wait3A_239 = tpu.memref_slice %arg4[%dma_wait3A_237, %dma_wait3A_238] : memref<627200x128xf32, #tpu.memory_space<hbm>> -> memref<112x128xf32, #tpu.memory_space<hbm>>
        %dma_wait3A_240 = arith.constant 112 : i32
        %dma_wait3A_241 = arith.constant 0 : i32
        %dma_wait3A_242 = tpu.memref_slice %arg6[%dma_wait3A_240, %dma_wait3A_241] : memref<560x128xf32, #tpu.memory_space<vmem>> -> memref<112x128xf32, #tpu.memory_space<vmem>>
        %dma_wait3A_243 = arith.constant 0 : i32
        %dma_wait3A_244 = arith.constant 0 : i32
        %dma_wait3A_245 = tpu.memref_slice %arg4[%dma_wait3A_243, %dma_wait3A_244] : memref<627200x128xf32, #tpu.memory_space<hbm>> -> memref<112x128xf32, #tpu.memory_space<hbm>>
        tpu.wait_dma2 semaphore(%arg9 : memref<!tpu.dma_semaphore, #tpu.memory_space<semaphore_mem>>) src(%dma_wait3A_245 : memref<112x128xf32, #tpu.memory_space<hbm>>) dst(%dma_wait3A_242 : memref<112x128xf32, #tpu.memory_space<vmem>>)
      } else {
      }
      %dma_start3A_87 = arith.constant 112 : i32
      %dma_start3A_88 = arith.constant 0 : i32
      %dma_start3A_89 = tpu.memref_slice %arg6[%dma_start3A_87, %dma_start3A_88] : memref<560x128xf32, #tpu.memory_space<vmem>> -> memref<112x128xf32, #tpu.memory_space<vmem>>
      %dma_start3A_90 = arith.constant 112 : i32
      %dma_start3A_91 = tpu.memref_slice %arg5[%dma_start3A_90] : memref<560xi32, #tpu.memory_space<vmem>> -> memref<112xi32, #tpu.memory_space<vmem>>
      %dma_start3A_92 = arith.constant 0 : i32
      %dma_start3A_93 = arith.constant 0 : i32
      %dma_start3A_94 = tpu.memref_slice %arg2[%dma_start3A_92, %dma_start3A_93] : memref<50000x128xf32, #tpu.memory_space<hbm>> -> memref<50000x128xf32, #tpu.memory_space<hbm>>
      tpu.enqueue_indirect_dma source(%dma_start3A_94 : memref<50000x128xf32, #tpu.memory_space<hbm>>) target(%dma_start3A_89 : memref<112x128xf32, #tpu.memory_space<vmem>>) offsets(%dma_start3A_91 : memref<112xi32, #tpu.memory_space<vmem>>) semaphore(%arg7 : memref<!tpu.dma_semaphore, #tpu.memory_space<semaphore_mem>>)
      %gt3A_95 = arith.constant 0 : i32
      %gt3A_96 = arith.cmpi sgt, %scan3A_69, %gt3A_95 : i32
      %convert_element_type3A_97 = arith.extui %gt3A_96 : i1 to i32
      %cond3A_98 = arith.constant 0 : i32
      %cond3A_99 = arith.cmpi ne, %convert_element_type3A_97, %cond3A_98 : i32
      scf.if %cond3A_99 {
        %dma_wait3A_234 = arith.constant 224 : i32
        %dma_wait3A_235 = arith.constant 0 : i32
        %dma_wait3A_236 = tpu.memref_slice %arg6[%dma_wait3A_234, %dma_wait3A_235] : memref<560x128xf32, #tpu.memory_space<vmem>> -> memref<112x128xf32, #tpu.memory_space<vmem>>
        %dma_wait3A_237 = arith.constant 0 : i32
        %dma_wait3A_238 = arith.constant 0 : i32
        %dma_wait3A_239 = tpu.memref_slice %arg4[%dma_wait3A_237, %dma_wait3A_238] : memref<627200x128xf32, #tpu.memory_space<hbm>> -> memref<112x128xf32, #tpu.memory_space<hbm>>
        %dma_wait3A_240 = arith.constant 224 : i32
        %dma_wait3A_241 = arith.constant 0 : i32
        %dma_wait3A_242 = tpu.memref_slice %arg6[%dma_wait3A_240, %dma_wait3A_241] : memref<560x128xf32, #tpu.memory_space<vmem>> -> memref<112x128xf32, #tpu.memory_space<vmem>>
        %dma_wait3A_243 = arith.constant 0 : i32
        %dma_wait3A_244 = arith.constant 0 : i32
        %dma_wait3A_245 = tpu.memref_slice %arg4[%dma_wait3A_243, %dma_wait3A_244] : memref<627200x128xf32, #tpu.memory_space<hbm>> -> memref<112x128xf32, #tpu.memory_space<hbm>>
        tpu.wait_dma2 semaphore(%arg10 : memref<!tpu.dma_semaphore, #tpu.memory_space<semaphore_mem>>) src(%dma_wait3A_245 : memref<112x128xf32, #tpu.memory_space<hbm>>) dst(%dma_wait3A_242 : memref<112x128xf32, #tpu.memory_space<vmem>>)
      } else {
      }
      %dma_start3A_100 = arith.constant 224 : i32
      %dma_start3A_101 = arith.constant 0 : i32
      %dma_start3A_102 = tpu.memref_slice %arg6[%dma_start3A_100, %dma_start3A_101] : memref<560x128xf32, #tpu.memory_space<vmem>> -> memref<112x128xf32, #tpu.memory_space<vmem>>
      %dma_start3A_103 = arith.constant 224 : i32
      %dma_start3A_104 = tpu.memref_slice %arg5[%dma_start3A_103] : memref<560xi32, #tpu.memory_space<vmem>> -> memref<112xi32, #tpu.memory_space<vmem>>
      %dma_start3A_105 = arith.constant 0 : i32
      %dma_start3A_106 = arith.constant 0 : i32
      %dma_start3A_107 = tpu.memref_slice %arg2[%dma_start3A_105, %dma_start3A_106] : memref<50000x128xf32, #tpu.memory_space<hbm>> -> memref<50000x128xf32, #tpu.memory_space<hbm>>
      tpu.enqueue_indirect_dma source(%dma_start3A_107 : memref<50000x128xf32, #tpu.memory_space<hbm>>) target(%dma_start3A_102 : memref<112x128xf32, #tpu.memory_space<vmem>>) offsets(%dma_start3A_104 : memref<112xi32, #tpu.memory_space<vmem>>) semaphore(%arg7 : memref<!tpu.dma_semaphore, #tpu.memory_space<semaphore_mem>>)
      %gt3A_108 = arith.constant 0 : i32
      %gt3A_109 = arith.cmpi sgt, %scan3A_69, %gt3A_108 : i32
      %convert_element_type3A_110 = arith.extui %gt3A_109 : i1 to i32
      %cond3A_111 = arith.constant 0 : i32
      %cond3A_112 = arith.cmpi ne, %convert_element_type3A_110, %cond3A_111 : i32
      scf.if %cond3A_112 {
        %dma_wait3A_234 = arith.constant 336 : i32
        %dma_wait3A_235 = arith.constant 0 : i32
        %dma_wait3A_236 = tpu.memref_slice %arg6[%dma_wait3A_234, %dma_wait3A_235] : memref<560x128xf32, #tpu.memory_space<vmem>> -> memref<112x128xf32, #tpu.memory_space<vmem>>
        %dma_wait3A_237 = arith.constant 0 : i32
        %dma_wait3A_238 = arith.constant 0 : i32
        %dma_wait3A_239 = tpu.memref_slice %arg4[%dma_wait3A_237, %dma_wait3A_238] : memref<627200x128xf32, #tpu.memory_space<hbm>> -> memref<112x128xf32, #tpu.memory_space<hbm>>
        %dma_wait3A_240 = arith.constant 336 : i32
        %dma_wait3A_241 = arith.constant 0 : i32
        %dma_wait3A_242 = tpu.memref_slice %arg6[%dma_wait3A_240, %dma_wait3A_241] : memref<560x128xf32, #tpu.memory_space<vmem>> -> memref<112x128xf32, #tpu.memory_space<vmem>>
        %dma_wait3A_243 = arith.constant 0 : i32
        %dma_wait3A_244 = arith.constant 0 : i32
        %dma_wait3A_245 = tpu.memref_slice %arg4[%dma_wait3A_243, %dma_wait3A_244] : memref<627200x128xf32, #tpu.memory_space<hbm>> -> memref<112x128xf32, #tpu.memory_space<hbm>>
        tpu.wait_dma2 semaphore(%arg11 : memref<!tpu.dma_semaphore, #tpu.memory_space<semaphore_mem>>) src(%dma_wait3A_245 : memref<112x128xf32, #tpu.memory_space<hbm>>) dst(%dma_wait3A_242 : memref<112x128xf32, #tpu.memory_space<vmem>>)
      } else {
      }
      %dma_start3A_113 = arith.constant 336 : i32
      %dma_start3A_114 = arith.constant 0 : i32
      %dma_start3A_115 = tpu.memref_slice %arg6[%dma_start3A_113, %dma_start3A_114] : memref<560x128xf32, #tpu.memory_space<vmem>> -> memref<112x128xf32, #tpu.memory_space<vmem>>
      %dma_start3A_116 = arith.constant 336 : i32
      %dma_start3A_117 = tpu.memref_slice %arg5[%dma_start3A_116] : memref<560xi32, #tpu.memory_space<vmem>> -> memref<112xi32, #tpu.memory_space<vmem>>
      %dma_start3A_118 = arith.constant 0 : i32
      %dma_start3A_119 = arith.constant 0 : i32
      %dma_start3A_120 = tpu.memref_slice %arg2[%dma_start3A_118, %dma_start3A_119] : memref<50000x128xf32, #tpu.memory_space<hbm>> -> memref<50000x128xf32, #tpu.memory_space<hbm>>
      tpu.enqueue_indirect_dma source(%dma_start3A_120 : memref<50000x128xf32, #tpu.memory_space<hbm>>) target(%dma_start3A_115 : memref<112x128xf32, #tpu.memory_space<vmem>>) offsets(%dma_start3A_117 : memref<112xi32, #tpu.memory_space<vmem>>) semaphore(%arg7 : memref<!tpu.dma_semaphore, #tpu.memory_space<semaphore_mem>>)
      %gt3A_121 = arith.constant 0 : i32
      %gt3A_122 = arith.cmpi sgt, %scan3A_69, %gt3A_121 : i32
      %convert_element_type3A_123 = arith.extui %gt3A_122 : i1 to i32
      %cond3A_124 = arith.constant 0 : i32
      %cond3A_125 = arith.cmpi ne, %convert_element_type3A_123, %cond3A_124 : i32
      scf.if %cond3A_125 {
        %dma_wait3A_234 = arith.constant 448 : i32
        %dma_wait3A_235 = arith.constant 0 : i32
        %dma_wait3A_236 = tpu.memref_slice %arg6[%dma_wait3A_234, %dma_wait3A_235] : memref<560x128xf32, #tpu.memory_space<vmem>> -> memref<112x128xf32, #tpu.memory_space<vmem>>
        %dma_wait3A_237 = arith.constant 0 : i32
        %dma_wait3A_238 = arith.constant 0 : i32
        %dma_wait3A_239 = tpu.memref_slice %arg4[%dma_wait3A_237, %dma_wait3A_238] : memref<627200x128xf32, #tpu.memory_space<hbm>> -> memref<112x128xf32, #tpu.memory_space<hbm>>
        %dma_wait3A_240 = arith.constant 448 : i32
        %dma_wait3A_241 = arith.constant 0 : i32
        %dma_wait3A_242 = tpu.memref_slice %arg6[%dma_wait3A_240, %dma_wait3A_241] : memref<560x128xf32, #tpu.memory_space<vmem>> -> memref<112x128xf32, #tpu.memory_space<vmem>>
        %dma_wait3A_243 = arith.constant 0 : i32
        %dma_wait3A_244 = arith.constant 0 : i32
        %dma_wait3A_245 = tpu.memref_slice %arg4[%dma_wait3A_243, %dma_wait3A_244] : memref<627200x128xf32, #tpu.memory_space<hbm>> -> memref<112x128xf32, #tpu.memory_space<hbm>>
        tpu.wait_dma2 semaphore(%arg12 : memref<!tpu.dma_semaphore, #tpu.memory_space<semaphore_mem>>) src(%dma_wait3A_245 : memref<112x128xf32, #tpu.memory_space<hbm>>) dst(%dma_wait3A_242 : memref<112x128xf32, #tpu.memory_space<vmem>>)
      } else {
      }
      %dma_start3A_126 = arith.constant 448 : i32
      %dma_start3A_127 = arith.constant 0 : i32
      %dma_start3A_128 = tpu.memref_slice %arg6[%dma_start3A_126, %dma_start3A_127] : memref<560x128xf32, #tpu.memory_space<vmem>> -> memref<112x128xf32, #tpu.memory_space<vmem>>
      %dma_start3A_129 = arith.constant 448 : i32
      %dma_start3A_130 = tpu.memref_slice %arg5[%dma_start3A_129] : memref<560xi32, #tpu.memory_space<vmem>> -> memref<112xi32, #tpu.memory_space<vmem>>
      %dma_start3A_131 = arith.constant 0 : i32
      %dma_start3A_132 = arith.constant 0 : i32
      %dma_start3A_133 = tpu.memref_slice %arg2[%dma_start3A_131, %dma_start3A_132] : memref<50000x128xf32, #tpu.memory_space<hbm>> -> memref<50000x128xf32, #tpu.memory_space<hbm>>
      tpu.enqueue_indirect_dma source(%dma_start3A_133 : memref<50000x128xf32, #tpu.memory_space<hbm>>) target(%dma_start3A_128 : memref<112x128xf32, #tpu.memory_space<vmem>>) offsets(%dma_start3A_130 : memref<112xi32, #tpu.memory_space<vmem>>) semaphore(%arg7 : memref<!tpu.dma_semaphore, #tpu.memory_space<semaphore_mem>>)
      %dma_wait3A_134 = arith.constant 0 : i32
      %dma_wait3A_135 = arith.constant 0 : i32
      %dma_wait3A_136 = tpu.memref_slice %arg6[%dma_wait3A_134, %dma_wait3A_135] : memref<560x128xf32, #tpu.memory_space<vmem>> -> memref<112x128xf32, #tpu.memory_space<vmem>>
      %dma_wait3A_137 = arith.constant 0 : i32
      %dma_wait3A_138 = tpu.memref_slice %arg5[%dma_wait3A_137] : memref<560xi32, #tpu.memory_space<vmem>> -> memref<112xi32, #tpu.memory_space<vmem>>
      %dma_wait3A_139 = arith.constant 0 : i32
      %dma_wait3A_140 = arith.constant 0 : i32
      %dma_wait3A_141 = tpu.memref_slice %arg2[%dma_wait3A_139, %dma_wait3A_140] : memref<50000x128xf32, #tpu.memory_space<hbm>> -> memref<50000x128xf32, #tpu.memory_space<hbm>>
      tpu.wait_indirect_dma semaphore(%arg7 : memref<!tpu.dma_semaphore, #tpu.memory_space<semaphore_mem>>) src(%dma_wait3A_141 : memref<50000x128xf32, #tpu.memory_space<hbm>>) dst(%dma_wait3A_136 : memref<112x128xf32, #tpu.memory_space<vmem>>)
      %add3A_142 = arith.constant 0 : i32
      %add3A_143 = arith.addi %add3A_72, %add3A_142 : i32
      %dma_start3A_144 = arith.constant 0 : i32
      %dma_start3A_145 = arith.constant 0 : i32
      %dma_start3A_146 = tpu.memref_slice %arg6[%dma_start3A_144, %dma_start3A_145] : memref<560x128xf32, #tpu.memory_space<vmem>> -> memref<112x128xf32, #tpu.memory_space<vmem>>
      %dma_start3A_147 = arith.constant 0 : i32
      %dma_start3A_148 = tpu.memref_slice %arg4[%add3A_143, %dma_start3A_147] : memref<627200x128xf32, #tpu.memory_space<hbm>> -> memref<112x128xf32, #tpu.memory_space<hbm>>
      %dma_start3A_149 = arith.constant 0 : i32
      %dma_start3A_150 = tpu.memref_slice %arg4[%add3A_143, %dma_start3A_149] : memref<627200x128xf32, #tpu.memory_space<hbm>> -> memref<112x128xf32, #tpu.memory_space<hbm>>
      %dma_start3A_151 = arith.constant 0 : i32
      %dma_start3A_152 = arith.constant 0 : i32
      %dma_start3A_153 = tpu.memref_slice %arg6[%dma_start3A_151, %dma_start3A_152] : memref<560x128xf32, #tpu.memory_space<vmem>> -> memref<112x128xf32, #tpu.memory_space<vmem>>
      tpu.enqueue_dma source(%dma_start3A_153 : memref<112x128xf32, #tpu.memory_space<vmem>>) target(%dma_start3A_150 : memref<112x128xf32, #tpu.memory_space<hbm>>) target_semaphore(%arg8 : memref<!tpu.dma_semaphore, #tpu.memory_space<semaphore_mem>>)
      %dma_wait3A_154 = arith.constant 112 : i32
      %dma_wait3A_155 = arith.constant 0 : i32
      %dma_wait3A_156 = tpu.memref_slice %arg6[%dma_wait3A_154, %dma_wait3A_155] : memref<560x128xf32, #tpu.memory_space<vmem>> -> memref<112x128xf32, #tpu.memory_space<vmem>>
      %dma_wait3A_157 = arith.constant 112 : i32
      %dma_wait3A_158 = tpu.memref_slice %arg5[%dma_wait3A_157] : memref<560xi32, #tpu.memory_space<vmem>> -> memref<112xi32, #tpu.memory_space<vmem>>
      %dma_wait3A_159 = arith.constant 0 : i32
      %dma_wait3A_160 = arith.constant 0 : i32
      %dma_wait3A_161 = tpu.memref_slice %arg2[%dma_wait3A_159, %dma_wait3A_160] : memref<50000x128xf32, #tpu.memory_space<hbm>> -> memref<50000x128xf32, #tpu.memory_space<hbm>>
      tpu.wait_indirect_dma semaphore(%arg7 : memref<!tpu.dma_semaphore, #tpu.memory_space<semaphore_mem>>) src(%dma_wait3A_161 : memref<50000x128xf32, #tpu.memory_space<hbm>>) dst(%dma_wait3A_156 : memref<112x128xf32, #tpu.memory_space<vmem>>)
      %add3A_162 = arith.constant 112 : i32
      %add3A_163 = arith.addi %add3A_72, %add3A_162 : i32
      %dma_start3A_164 = arith.constant 112 : i32
      %dma_start3A_165 = arith.constant 0 : i32
      %dma_start3A_166 = tpu.memref_slice %arg6[%dma_start3A_164, %dma_start3A_165] : memref<560x128xf32, #tpu.memory_space<vmem>> -> memref<112x128xf32, #tpu.memory_space<vmem>>
      %dma_start3A_167 = arith.constant 0 : i32
      %dma_start3A_168 = tpu.memref_slice %arg4[%add3A_163, %dma_start3A_167] : memref<627200x128xf32, #tpu.memory_space<hbm>> -> memref<112x128xf32, #tpu.memory_space<hbm>>
      %dma_start3A_169 = arith.constant 0 : i32
      %dma_start3A_170 = tpu.memref_slice %arg4[%add3A_163, %dma_start3A_169] : memref<627200x128xf32, #tpu.memory_space<hbm>> -> memref<112x128xf32, #tpu.memory_space<hbm>>
      %dma_start3A_171 = arith.constant 112 : i32
      %dma_start3A_172 = arith.constant 0 : i32
      %dma_start3A_173 = tpu.memref_slice %arg6[%dma_start3A_171, %dma_start3A_172] : memref<560x128xf32, #tpu.memory_space<vmem>> -> memref<112x128xf32, #tpu.memory_space<vmem>>
      tpu.enqueue_dma source(%dma_start3A_173 : memref<112x128xf32, #tpu.memory_space<vmem>>) target(%dma_start3A_170 : memref<112x128xf32, #tpu.memory_space<hbm>>) target_semaphore(%arg9 : memref<!tpu.dma_semaphore, #tpu.memory_space<semaphore_mem>>)
      %dma_wait3A_174 = arith.constant 224 : i32
      %dma_wait3A_175 = arith.constant 0 : i32
      %dma_wait3A_176 = tpu.memref_slice %arg6[%dma_wait3A_174, %dma_wait3A_175] : memref<560x128xf32, #tpu.memory_space<vmem>> -> memref<112x128xf32, #tpu.memory_space<vmem>>
      %dma_wait3A_177 = arith.constant 224 : i32
      %dma_wait3A_178 = tpu.memref_slice %arg5[%dma_wait3A_177] : memref<560xi32, #tpu.memory_space<vmem>> -> memref<112xi32, #tpu.memory_space<vmem>>
      %dma_wait3A_179 = arith.constant 0 : i32
      %dma_wait3A_180 = arith.constant 0 : i32
      %dma_wait3A_181 = tpu.memref_slice %arg2[%dma_wait3A_179, %dma_wait3A_180] : memref<50000x128xf32, #tpu.memory_space<hbm>> -> memref<50000x128xf32, #tpu.memory_space<hbm>>
      tpu.wait_indirect_dma semaphore(%arg7 : memref<!tpu.dma_semaphore, #tpu.memory_space<semaphore_mem>>) src(%dma_wait3A_181 : memref<50000x128xf32, #tpu.memory_space<hbm>>) dst(%dma_wait3A_176 : memref<112x128xf32, #tpu.memory_space<vmem>>)
      %add3A_182 = arith.constant 224 : i32
      %add3A_183 = arith.addi %add3A_72, %add3A_182 : i32
      %dma_start3A_184 = arith.constant 224 : i32
      %dma_start3A_185 = arith.constant 0 : i32
      %dma_start3A_186 = tpu.memref_slice %arg6[%dma_start3A_184, %dma_start3A_185] : memref<560x128xf32, #tpu.memory_space<vmem>> -> memref<112x128xf32, #tpu.memory_space<vmem>>
      %dma_start3A_187 = arith.constant 0 : i32
      %dma_start3A_188 = tpu.memref_slice %arg4[%add3A_183, %dma_start3A_187] : memref<627200x128xf32, #tpu.memory_space<hbm>> -> memref<112x128xf32, #tpu.memory_space<hbm>>
      %dma_start3A_189 = arith.constant 0 : i32
      %dma_start3A_190 = tpu.memref_slice %arg4[%add3A_183, %dma_start3A_189] : memref<627200x128xf32, #tpu.memory_space<hbm>> -> memref<112x128xf32, #tpu.memory_space<hbm>>
      %dma_start3A_191 = arith.constant 224 : i32
      %dma_start3A_192 = arith.constant 0 : i32
      %dma_start3A_193 = tpu.memref_slice %arg6[%dma_start3A_191, %dma_start3A_192] : memref<560x128xf32, #tpu.memory_space<vmem>> -> memref<112x128xf32, #tpu.memory_space<vmem>>
      tpu.enqueue_dma source(%dma_start3A_193 : memref<112x128xf32, #tpu.memory_space<vmem>>) target(%dma_start3A_190 : memref<112x128xf32, #tpu.memory_space<hbm>>) target_semaphore(%arg10 : memref<!tpu.dma_semaphore, #tpu.memory_space<semaphore_mem>>)
      %dma_wait3A_194 = arith.constant 336 : i32
      %dma_wait3A_195 = arith.constant 0 : i32
      %dma_wait3A_196 = tpu.memref_slice %arg6[%dma_wait3A_194, %dma_wait3A_195] : memref<560x128xf32, #tpu.memory_space<vmem>> -> memref<112x128xf32, #tpu.memory_space<vmem>>
      %dma_wait3A_197 = arith.constant 336 : i32
      %dma_wait3A_198 = tpu.memref_slice %arg5[%dma_wait3A_197] : memref<560xi32, #tpu.memory_space<vmem>> -> memref<112xi32, #tpu.memory_space<vmem>>
      %dma_wait3A_199 = arith.constant 0 : i32
      %dma_wait3A_200 = arith.constant 0 : i32
      %dma_wait3A_201 = tpu.memref_slice %arg2[%dma_wait3A_199, %dma_wait3A_200] : memref<50000x128xf32, #tpu.memory_space<hbm>> -> memref<50000x128xf32, #tpu.memory_space<hbm>>
      tpu.wait_indirect_dma semaphore(%arg7 : memref<!tpu.dma_semaphore, #tpu.memory_space<semaphore_mem>>) src(%dma_wait3A_201 : memref<50000x128xf32, #tpu.memory_space<hbm>>) dst(%dma_wait3A_196 : memref<112x128xf32, #tpu.memory_space<vmem>>)
      %add3A_202 = arith.constant 336 : i32
      %add3A_203 = arith.addi %add3A_72, %add3A_202 : i32
      %dma_start3A_204 = arith.constant 336 : i32
      %dma_start3A_205 = arith.constant 0 : i32
      %dma_start3A_206 = tpu.memref_slice %arg6[%dma_start3A_204, %dma_start3A_205] : memref<560x128xf32, #tpu.memory_space<vmem>> -> memref<112x128xf32, #tpu.memory_space<vmem>>
      %dma_start3A_207 = arith.constant 0 : i32
      %dma_start3A_208 = tpu.memref_slice %arg4[%add3A_203, %dma_start3A_207] : memref<627200x128xf32, #tpu.memory_space<hbm>> -> memref<112x128xf32, #tpu.memory_space<hbm>>
      %dma_start3A_209 = arith.constant 0 : i32
      %dma_start3A_210 = tpu.memref_slice %arg4[%add3A_203, %dma_start3A_209] : memref<627200x128xf32, #tpu.memory_space<hbm>> -> memref<112x128xf32, #tpu.memory_space<hbm>>
      %dma_start3A_211 = arith.constant 336 : i32
      %dma_start3A_212 = arith.constant 0 : i32
      %dma_start3A_213 = tpu.memref_slice %arg6[%dma_start3A_211, %dma_start3A_212] : memref<560x128xf32, #tpu.memory_space<vmem>> -> memref<112x128xf32, #tpu.memory_space<vmem>>
      tpu.enqueue_dma source(%dma_start3A_213 : memref<112x128xf32, #tpu.memory_space<vmem>>) target(%dma_start3A_210 : memref<112x128xf32, #tpu.memory_space<hbm>>) target_semaphore(%arg11 : memref<!tpu.dma_semaphore, #tpu.memory_space<semaphore_mem>>)
      %dma_wait3A_214 = arith.constant 448 : i32
      %dma_wait3A_215 = arith.constant 0 : i32
      %dma_wait3A_216 = tpu.memref_slice %arg6[%dma_wait3A_214, %dma_wait3A_215] : memref<560x128xf32, #tpu.memory_space<vmem>> -> memref<112x128xf32, #tpu.memory_space<vmem>>
      %dma_wait3A_217 = arith.constant 448 : i32
      %dma_wait3A_218 = tpu.memref_slice %arg5[%dma_wait3A_217] : memref<560xi32, #tpu.memory_space<vmem>> -> memref<112xi32, #tpu.memory_space<vmem>>
      %dma_wait3A_219 = arith.constant 0 : i32
      %dma_wait3A_220 = arith.constant 0 : i32
      %dma_wait3A_221 = tpu.memref_slice %arg2[%dma_wait3A_219, %dma_wait3A_220] : memref<50000x128xf32, #tpu.memory_space<hbm>> -> memref<50000x128xf32, #tpu.memory_space<hbm>>
      tpu.wait_indirect_dma semaphore(%arg7 : memref<!tpu.dma_semaphore, #tpu.memory_space<semaphore_mem>>) src(%dma_wait3A_221 : memref<50000x128xf32, #tpu.memory_space<hbm>>) dst(%dma_wait3A_216 : memref<112x128xf32, #tpu.memory_space<vmem>>)
      %add3A_222 = arith.constant 448 : i32
      %add3A_223 = arith.addi %add3A_72, %add3A_222 : i32
      %dma_start3A_224 = arith.constant 448 : i32
      %dma_start3A_225 = arith.constant 0 : i32
      %dma_start3A_226 = tpu.memref_slice %arg6[%dma_start3A_224, %dma_start3A_225] : memref<560x128xf32, #tpu.memory_space<vmem>> -> memref<112x128xf32, #tpu.memory_space<vmem>>
      %dma_start3A_227 = arith.constant 0 : i32
      %dma_start3A_228 = tpu.memref_slice %arg4[%add3A_223, %dma_start3A_227] : memref<627200x128xf32, #tpu.memory_space<hbm>> -> memref<112x128xf32, #tpu.memory_space<hbm>>
      %dma_start3A_229 = arith.constant 0 : i32
      %dma_start3A_230 = tpu.memref_slice %arg4[%add3A_223, %dma_start3A_229] : memref<627200x128xf32, #tpu.memory_space<hbm>> -> memref<112x128xf32, #tpu.memory_space<hbm>>
      %dma_start3A_231 = arith.constant 448 : i32
      %dma_start3A_232 = arith.constant 0 : i32
      %dma_start3A_233 = tpu.memref_slice %arg6[%dma_start3A_231, %dma_start3A_232] : memref<560x128xf32, #tpu.memory_space<vmem>> -> memref<112x128xf32, #tpu.memory_space<vmem>>
      tpu.enqueue_dma source(%dma_start3A_233 : memref<112x128xf32, #tpu.memory_space<vmem>>) target(%dma_start3A_230 : memref<112x128xf32, #tpu.memory_space<hbm>>) target_semaphore(%arg12 : memref<!tpu.dma_semaphore, #tpu.memory_space<semaphore_mem>>)
    }
    %scan3A_9 = arith.constant 35 : i32
    %dma_wait3A = arith.constant 0 : i32
    %dma_wait3A_10 = arith.constant 0 : i32
    %dma_wait3A_11 = tpu.memref_slice %arg6[%dma_wait3A, %dma_wait3A_10] : memref<560x128xf32, #tpu.memory_space<vmem>> -> memref<112x128xf32, #tpu.memory_space<vmem>>
    %dma_wait3A_12 = arith.constant 0 : i32
    %dma_wait3A_13 = arith.constant 0 : i32
    %dma_wait3A_14 = tpu.memref_slice %arg4[%dma_wait3A_12, %dma_wait3A_13] : memref<627200x128xf32, #tpu.memory_space<hbm>> -> memref<112x128xf32, #tpu.memory_space<hbm>>
    %dma_wait3A_15 = arith.constant 0 : i32
    %dma_wait3A_16 = arith.constant 0 : i32
    %dma_wait3A_17 = tpu.memref_slice %arg6[%dma_wait3A_15, %dma_wait3A_16] : memref<560x128xf32, #tpu.memory_space<vmem>> -> memref<112x128xf32, #tpu.memory_space<vmem>>
    %dma_wait3A_18 = arith.constant 0 : i32
    %dma_wait3A_19 = arith.constant 0 : i32
    %dma_wait3A_20 = tpu.memref_slice %arg4[%dma_wait3A_18, %dma_wait3A_19] : memref<627200x128xf32, #tpu.memory_space<hbm>> -> memref<112x128xf32, #tpu.memory_space<hbm>>
    tpu.wait_dma2 semaphore(%arg8 : memref<!tpu.dma_semaphore, #tpu.memory_space<semaphore_mem>>) src(%dma_wait3A_20 : memref<112x128xf32, #tpu.memory_space<hbm>>) dst(%dma_wait3A_17 : memref<112x128xf32, #tpu.memory_space<vmem>>)
    %dma_wait3A_21 = arith.constant 112 : i32
    %dma_wait3A_22 = arith.constant 0 : i32
    %dma_wait3A_23 = tpu.memref_slice %arg6[%dma_wait3A_21, %dma_wait3A_22] : memref<560x128xf32, #tpu.memory_space<vmem>> -> memref<112x128xf32, #tpu.memory_space<vmem>>
    %dma_wait3A_24 = arith.constant 0 : i32
    %dma_wait3A_25 = arith.constant 0 : i32
    %dma_wait3A_26 = tpu.memref_slice %arg4[%dma_wait3A_24, %dma_wait3A_25] : memref<627200x128xf32, #tpu.memory_space<hbm>> -> memref<112x128xf32, #tpu.memory_space<hbm>>
    %dma_wait3A_27 = arith.constant 112 : i32
    %dma_wait3A_28 = arith.constant 0 : i32
    %dma_wait3A_29 = tpu.memref_slice %arg6[%dma_wait3A_27, %dma_wait3A_28] : memref<560x128xf32, #tpu.memory_space<vmem>> -> memref<112x128xf32, #tpu.memory_space<vmem>>
    %dma_wait3A_30 = arith.constant 0 : i32
    %dma_wait3A_31 = arith.constant 0 : i32
    %dma_wait3A_32 = tpu.memref_slice %arg4[%dma_wait3A_30, %dma_wait3A_31] : memref<627200x128xf32, #tpu.memory_space<hbm>> -> memref<112x128xf32, #tpu.memory_space<hbm>>
    tpu.wait_dma2 semaphore(%arg9 : memref<!tpu.dma_semaphore, #tpu.memory_space<semaphore_mem>>) src(%dma_wait3A_32 : memref<112x128xf32, #tpu.memory_space<hbm>>) dst(%dma_wait3A_29 : memref<112x128xf32, #tpu.memory_space<vmem>>)
    %dma_wait3A_33 = arith.constant 224 : i32
    %dma_wait3A_34 = arith.constant 0 : i32
    %dma_wait3A_35 = tpu.memref_slice %arg6[%dma_wait3A_33, %dma_wait3A_34] : memref<560x128xf32, #tpu.memory_space<vmem>> -> memref<112x128xf32, #tpu.memory_space<vmem>>
    %dma_wait3A_36 = arith.constant 0 : i32
    %dma_wait3A_37 = arith.constant 0 : i32
    %dma_wait3A_38 = tpu.memref_slice %arg4[%dma_wait3A_36, %dma_wait3A_37] : memref<627200x128xf32, #tpu.memory_space<hbm>> -> memref<112x128xf32, #tpu.memory_space<hbm>>
    %dma_wait3A_39 = arith.constant 224 : i32
    %dma_wait3A_40 = arith.constant 0 : i32
    %dma_wait3A_41 = tpu.memref_slice %arg6[%dma_wait3A_39, %dma_wait3A_40] : memref<560x128xf32, #tpu.memory_space<vmem>> -> memref<112x128xf32, #tpu.memory_space<vmem>>
    %dma_wait3A_42 = arith.constant 0 : i32
    %dma_wait3A_43 = arith.constant 0 : i32
    %dma_wait3A_44 = tpu.memref_slice %arg4[%dma_wait3A_42, %dma_wait3A_43] : memref<627200x128xf32, #tpu.memory_space<hbm>> -> memref<112x128xf32, #tpu.memory_space<hbm>>
    tpu.wait_dma2 semaphore(%arg10 : memref<!tpu.dma_semaphore, #tpu.memory_space<semaphore_mem>>) src(%dma_wait3A_44 : memref<112x128xf32, #tpu.memory_space<hbm>>) dst(%dma_wait3A_41 : memref<112x128xf32, #tpu.memory_space<vmem>>)
    %dma_wait3A_45 = arith.constant 336 : i32
    %dma_wait3A_46 = arith.constant 0 : i32
    %dma_wait3A_47 = tpu.memref_slice %arg6[%dma_wait3A_45, %dma_wait3A_46] : memref<560x128xf32, #tpu.memory_space<vmem>> -> memref<112x128xf32, #tpu.memory_space<vmem>>
    %dma_wait3A_48 = arith.constant 0 : i32
    %dma_wait3A_49 = arith.constant 0 : i32
    %dma_wait3A_50 = tpu.memref_slice %arg4[%dma_wait3A_48, %dma_wait3A_49] : memref<627200x128xf32, #tpu.memory_space<hbm>> -> memref<112x128xf32, #tpu.memory_space<hbm>>
    %dma_wait3A_51 = arith.constant 336 : i32
    %dma_wait3A_52 = arith.constant 0 : i32
    %dma_wait3A_53 = tpu.memref_slice %arg6[%dma_wait3A_51, %dma_wait3A_52] : memref<560x128xf32, #tpu.memory_space<vmem>> -> memref<112x128xf32, #tpu.memory_space<vmem>>
    %dma_wait3A_54 = arith.constant 0 : i32
    %dma_wait3A_55 = arith.constant 0 : i32
    %dma_wait3A_56 = tpu.memref_slice %arg4[%dma_wait3A_54, %dma_wait3A_55] : memref<627200x128xf32, #tpu.memory_space<hbm>> -> memref<112x128xf32, #tpu.memory_space<hbm>>
    tpu.wait_dma2 semaphore(%arg11 : memref<!tpu.dma_semaphore, #tpu.memory_space<semaphore_mem>>) src(%dma_wait3A_56 : memref<112x128xf32, #tpu.memory_space<hbm>>) dst(%dma_wait3A_53 : memref<112x128xf32, #tpu.memory_space<vmem>>)
    %dma_wait3A_57 = arith.constant 448 : i32
    %dma_wait3A_58 = arith.constant 0 : i32
    %dma_wait3A_59 = tpu.memref_slice %arg6[%dma_wait3A_57, %dma_wait3A_58] : memref<560x128xf32, #tpu.memory_space<vmem>> -> memref<112x128xf32, #tpu.memory_space<vmem>>
    %dma_wait3A_60 = arith.constant 0 : i32
    %dma_wait3A_61 = arith.constant 0 : i32
    %dma_wait3A_62 = tpu.memref_slice %arg4[%dma_wait3A_60, %dma_wait3A_61] : memref<627200x128xf32, #tpu.memory_space<hbm>> -> memref<112x128xf32, #tpu.memory_space<hbm>>
    %dma_wait3A_63 = arith.constant 448 : i32
    %dma_wait3A_64 = arith.constant 0 : i32
    %dma_wait3A_65 = tpu.memref_slice %arg6[%dma_wait3A_63, %dma_wait3A_64] : memref<560x128xf32, #tpu.memory_space<vmem>> -> memref<112x128xf32, #tpu.memory_space<vmem>>
    %dma_wait3A_66 = arith.constant 0 : i32
    %dma_wait3A_67 = arith.constant 0 : i32
    %dma_wait3A_68 = tpu.memref_slice %arg4[%dma_wait3A_66, %dma_wait3A_67] : memref<627200x128xf32, #tpu.memory_space<hbm>> -> memref<112x128xf32, #tpu.memory_space<hbm>>
    tpu.wait_dma2 semaphore(%arg12 : memref<!tpu.dma_semaphore, #tpu.memory_space<semaphore_mem>>) src(%dma_wait3A_68 : memref<112x128xf32, #tpu.memory_space<hbm>>) dst(%dma_wait3A_65 : memref<112x128xf32, #tpu.memory_space<vmem>>)
    return
  }
}

#map = affine_map<(d0, d1) -> (0, 0)>
#map1 = affine_map<(d0, d1) -> (0)>
module attributes {stable_mosaic.version = 14 : i64} {
  func.func @_sc_scatter(%arg0: i32, %arg1: i32, %arg2: memref<627200x128xf32, #tpu.memory_space<hbm>>, %arg3: memref<627200xi32, #tpu.memory_space<hbm>>, %arg4: memref<784x128xf32, #tpu.memory_space<hbm>>, %arg5: memref<50176x128xf32, #tpu.memory_space<hbm>>, %arg6: memref<1568xi32, #tpu.memory_space<vmem>>, %arg7: memref<112xi32, #tpu.memory_space<vmem>>, %arg8: memref<112xi32, #tpu.memory_space<vmem>>, %arg9: memref<112x128xf32, #tpu.memory_space<vmem>>, %arg10: memref<112x128xf32, #tpu.memory_space<vmem>>, %arg11: memref<12560x128xf32, #tpu.memory_space<vmem_shared>>, %arg12: memref<!tpu.dma_semaphore, #tpu.memory_space<semaphore_mem>>, %arg13: memref<!tpu.dma_semaphore, #tpu.memory_space<semaphore_mem>>, %arg14: memref<!tpu.dma_semaphore, #tpu.memory_space<semaphore_mem>>, %arg15: memref<!tpu.dma_semaphore, #tpu.memory_space<semaphore_mem>>) attributes {dimension_semantics = [#tpu.dimension_semantics<core_parallel>, #tpu.dimension_semantics<subcore_parallel>], iteration_bounds = array<i64: 2, 16>, scalar_prefetch = 0 : i64, scratch_operands = 10 : i64, tpu.core_type = #tpu.core_type<sc_vector_subcore>, window_params = [{transform_indices = #map}, {transform_indices = #map1}, {transform_indices = #map}, {transform_indices = #map}]} {
    %mul3A = arith.constant 39200 : i32
    %mul3A_0 = arith.muli %arg1, %mul3A : i32
    %broadcast_in_dim3A = arith.constant 12544 : i32
    %broadcast_in_dim3A_1 = vector.broadcast %broadcast_in_dim3A : i32 to vector<16xi32>
    %add3A = arith.constant 0 : i32
    %add3A_2 = arith.addi %add3A, %arg0 : i32
    %mul3A_3 = arith.constant 12544 : i32
    %mul3A_4 = arith.muli %add3A_2, %mul3A_3 : i32
    %mul3A_5 = arith.constant 784 : i32
    %mul3A_6 = arith.muli %arg1, %mul3A_5 : i32
    "tpu.region"() ({
      %run_scoped3A = tpu.sem_alloc : memref<!tpu.dma_semaphore, #tpu.memory_space<semaphore_mem>>
      %dma_start3A_128 = arith.constant 0 : i32
      %dma_start3A_129 = tpu.memref_slice %arg11[%mul3A_6, %dma_start3A_128] : memref<12560x128xf32, #tpu.memory_space<vmem_shared>> -> memref<784x128xf32, #tpu.memory_space<vmem_shared>>
      tpu.enqueue_dma source(%arg4 : memref<784x128xf32, #tpu.memory_space<hbm>>) target(%dma_start3A_129 : memref<784x128xf32, #tpu.memory_space<vmem_shared>>) target_semaphore(%run_scoped3A : memref<!tpu.dma_semaphore, #tpu.memory_space<semaphore_mem>>)
      %dma_wait3A_130 = arith.constant 0 : i32
      %dma_wait3A_131 = tpu.memref_slice %arg11[%mul3A_6, %dma_wait3A_130] : memref<12560x128xf32, #tpu.memory_space<vmem_shared>> -> memref<784x128xf32, #tpu.memory_space<vmem_shared>>
      tpu.wait_dma2 semaphore(%run_scoped3A : memref<!tpu.dma_semaphore, #tpu.memory_space<semaphore_mem>>) src(%arg4 : memref<784x128xf32, #tpu.memory_space<hbm>>) dst(%dma_wait3A_131 : memref<784x128xf32, #tpu.memory_space<vmem_shared>>)
      tpu.yield
    }) : () -> ()
    %barrier3A = arith.constant 0 : index
    tpu.barrier barrier_id(%barrier3A)
    %swap3A = arith.constant 0 : index
    %swap3A_7 = tpu.vector_load %arg7[%swap3A] {strides = array<i32>} : memref<112xi32, #tpu.memory_space<vmem>>, vector<16xi32>,
    tpu.vector_store %arg7[%swap3A], %broadcast_in_dim3A_1 {strides = array<i32>} : memref<112xi32, #tpu.memory_space<vmem>>, vector<16xi32>,
    %swap3A_8 = arith.constant 16 : index
    %swap3A_9 = tpu.vector_load %arg7[%swap3A_8] {strides = array<i32>} : memref<112xi32, #tpu.memory_space<vmem>>, vector<16xi32>,
    tpu.vector_store %arg7[%swap3A_8], %broadcast_in_dim3A_1 {strides = array<i32>} : memref<112xi32, #tpu.memory_space<vmem>>, vector<16xi32>,
    %swap3A_10 = arith.constant 32 : index
    %swap3A_11 = tpu.vector_load %arg7[%swap3A_10] {strides = array<i32>} : memref<112xi32, #tpu.memory_space<vmem>>, vector<16xi32>,
    tpu.vector_store %arg7[%swap3A_10], %broadcast_in_dim3A_1 {strides = array<i32>} : memref<112xi32, #tpu.memory_space<vmem>>, vector<16xi32>,
    %swap3A_12 = arith.constant 48 : index
    %swap3A_13 = tpu.vector_load %arg7[%swap3A_12] {strides = array<i32>} : memref<112xi32, #tpu.memory_space<vmem>>, vector<16xi32>,
    tpu.vector_store %arg7[%swap3A_12], %broadcast_in_dim3A_1 {strides = array<i32>} : memref<112xi32, #tpu.memory_space<vmem>>, vector<16xi32>,
    %swap3A_14 = arith.constant 64 : index
    %swap3A_15 = tpu.vector_load %arg7[%swap3A_14] {strides = array<i32>} : memref<112xi32, #tpu.memory_space<vmem>>, vector<16xi32>,
    tpu.vector_store %arg7[%swap3A_14], %broadcast_in_dim3A_1 {strides = array<i32>} : memref<112xi32, #tpu.memory_space<vmem>>, vector<16xi32>,
    %swap3A_16 = arith.constant 80 : index
    %swap3A_17 = tpu.vector_load %arg7[%swap3A_16] {strides = array<i32>} : memref<112xi32, #tpu.memory_space<vmem>>, vector<16xi32>,
    tpu.vector_store %arg7[%swap3A_16], %broadcast_in_dim3A_1 {strides = array<i32>} : memref<112xi32, #tpu.memory_space<vmem>>, vector<16xi32>,
    %swap3A_18 = arith.constant 96 : index
    %swap3A_19 = tpu.vector_load %arg7[%swap3A_18] {strides = array<i32>} : memref<112xi32, #tpu.memory_space<vmem>>, vector<16xi32>,
    tpu.vector_store %arg7[%swap3A_18], %broadcast_in_dim3A_1 {strides = array<i32>} : memref<112xi32, #tpu.memory_space<vmem>>, vector<16xi32>,
    %dma_start3A = arith.constant 0 : i32
    %dma_start3A_20 = arith.constant 0 : i32
    %dma_start3A_21 = tpu.memref_slice %arg11[%dma_start3A, %dma_start3A_20] : memref<12560x128xf32, #tpu.memory_space<vmem_shared>> -> memref<12560x128xf32, #tpu.memory_space<vmem_shared>>
    tpu.enqueue_indirect_dma source(%arg9 : memref<112x128xf32, #tpu.memory_space<vmem>>) target(%dma_start3A_21 : memref<12560x128xf32, #tpu.memory_space<vmem_shared>>) offsets(%arg7 : memref<112xi32, #tpu.memory_space<vmem>>) semaphore(%arg14 : memref<!tpu.dma_semaphore, #tpu.memory_space<semaphore_mem>>) {add = true}
    %swap3A_22 = arith.constant 0 : index
    %swap3A_23 = tpu.vector_load %arg8[%swap3A_22] {strides = array<i32>} : memref<112xi32, #tpu.memory_space<vmem>>, vector<16xi32>,
    tpu.vector_store %arg8[%swap3A_22], %broadcast_in_dim3A_1 {strides = array<i32>} : memref<112xi32, #tpu.memory_space<vmem>>, vector<16xi32>,
    %swap3A_24 = arith.constant 16 : index
    %swap3A_25 = tpu.vector_load %arg8[%swap3A_24] {strides = array<i32>} : memref<112xi32, #tpu.memory_space<vmem>>, vector<16xi32>,
    tpu.vector_store %arg8[%swap3A_24], %broadcast_in_dim3A_1 {strides = array<i32>} : memref<112xi32, #tpu.memory_space<vmem>>, vector<16xi32>,
    %swap3A_26 = arith.constant 32 : index
    %swap3A_27 = tpu.vector_load %arg8[%swap3A_26] {strides = array<i32>} : memref<112xi32, #tpu.memory_space<vmem>>, vector<16xi32>,
    tpu.vector_store %arg8[%swap3A_26], %broadcast_in_dim3A_1 {strides = array<i32>} : memref<112xi32, #tpu.memory_space<vmem>>, vector<16xi32>,
    %swap3A_28 = arith.constant 48 : index
    %swap3A_29 = tpu.vector_load %arg8[%swap3A_28] {strides = array<i32>} : memref<112xi32, #tpu.memory_space<vmem>>, vector<16xi32>,
    tpu.vector_store %arg8[%swap3A_28], %broadcast_in_dim3A_1 {strides = array<i32>} : memref<112xi32, #tpu.memory_space<vmem>>, vector<16xi32>,
    %swap3A_30 = arith.constant 64 : index
    %swap3A_31 = tpu.vector_load %arg8[%swap3A_30] {strides = array<i32>} : memref<112xi32, #tpu.memory_space<vmem>>, vector<16xi32>,
    tpu.vector_store %arg8[%swap3A_30], %broadcast_in_dim3A_1 {strides = array<i32>} : memref<112xi32, #tpu.memory_space<vmem>>, vector<16xi32>,
    %swap3A_32 = arith.constant 80 : index
    %swap3A_33 = tpu.vector_load %arg8[%swap3A_32] {strides = array<i32>} : memref<112xi32, #tpu.memory_space<vmem>>, vector<16xi32>,
    tpu.vector_store %arg8[%swap3A_32], %broadcast_in_dim3A_1 {strides = array<i32>} : memref<112xi32, #tpu.memory_space<vmem>>, vector<16xi32>,
    %swap3A_34 = arith.constant 96 : index
    %swap3A_35 = tpu.vector_load %arg8[%swap3A_34] {strides = array<i32>} : memref<112xi32, #tpu.memory_space<vmem>>, vector<16xi32>,
    tpu.vector_store %arg8[%swap3A_34], %broadcast_in_dim3A_1 {strides = array<i32>} : memref<112xi32, #tpu.memory_space<vmem>>, vector<16xi32>,
    %dma_start3A_36 = arith.constant 0 : i32
    %dma_start3A_37 = arith.constant 0 : i32
    %dma_start3A_38 = tpu.memref_slice %arg11[%dma_start3A_36, %dma_start3A_37] : memref<12560x128xf32, #tpu.memory_space<vmem_shared>> -> memref<12560x128xf32, #tpu.memory_space<vmem_shared>>
    tpu.enqueue_indirect_dma source(%arg10 : memref<112x128xf32, #tpu.memory_space<vmem>>) target(%dma_start3A_38 : memref<12560x128xf32, #tpu.memory_space<vmem_shared>>) offsets(%arg8 : memref<112xi32, #tpu.memory_space<vmem>>) semaphore(%arg15 : memref<!tpu.dma_semaphore, #tpu.memory_space<semaphore_mem>>) {add = true}
    %scan3A = arith.constant 0 : i32
    %scan3A_39 = arith.constant 0 : i32
    %scan3A_40 = arith.constant 25 : i32
    %scan3A_41 = arith.addi %scan3A_39, %scan3A_40 : i32
    %scan3A_42 = arith.constant 1 : i32
    scf.for %scan3A_128 = %scan3A_39 to %scan3A_41 step %scan3A_42  : i32 {
      %mul3A_129 = arith.constant 1568 : i32
      %mul3A_130 = arith.muli %scan3A_128, %mul3A_129 : i32
      %add3A_131 = arith.addi %mul3A_0, %mul3A_130 : i32
      "tpu.region"() ({
        %run_scoped3A = tpu.sem_alloc : memref<!tpu.dma_semaphore, #tpu.memory_space<semaphore_mem>>
        %dma_start3A_137 = tpu.memref_slice %arg3[%add3A_131] : memref<627200xi32, #tpu.memory_space<hbm>> -> memref<1568xi32, #tpu.memory_space<hbm>>
        %dma_start3A_138 = tpu.memref_slice %arg3[%add3A_131] : memref<627200xi32, #tpu.memory_space<hbm>> -> memref<1568xi32, #tpu.memory_space<hbm>>
        tpu.enqueue_dma source(%dma_start3A_138 : memref<1568xi32, #tpu.memory_space<hbm>>) target(%arg6 : memref<1568xi32, #tpu.memory_space<vmem>>) target_semaphore(%run_scoped3A : memref<!tpu.dma_semaphore, #tpu.memory_space<semaphore_mem>>)
        %dma_wait3A_139 = tpu.memref_slice %arg3[%add3A_131] : memref<627200xi32, #tpu.memory_space<hbm>> -> memref<1568xi32, #tpu.memory_space<hbm>>
        %dma_wait3A_140 = tpu.memref_slice %arg3[%add3A_131] : memref<627200xi32, #tpu.memory_space<hbm>> -> memref<1568xi32, #tpu.memory_space<hbm>>
        tpu.wait_dma2 semaphore(%run_scoped3A : memref<!tpu.dma_semaphore, #tpu.memory_space<semaphore_mem>>) src(%dma_wait3A_140 : memref<1568xi32, #tpu.memory_space<hbm>>) dst(%arg6 : memref<1568xi32, #tpu.memory_space<vmem>>)
        tpu.yield
      }) : () -> ()
      %scan3A_132 = arith.constant 0 : i32
      %scan3A_133 = arith.constant 7 : i32
      %scan3A_134 = arith.addi %scan3A_132, %scan3A_133 : i32
      %scan3A_135 = arith.constant 1 : i32
      scf.for %scan3A_137 = %scan3A_132 to %scan3A_134 step %scan3A_135  : i32 {
        %mul3A_138 = arith.constant 2 : i32
        %mul3A_139 = arith.muli %scan3A_137, %mul3A_138 : i32
        %mul3A_140 = arith.constant 112 : i32
        %mul3A_141 = arith.muli %mul3A_139, %mul3A_140 : i32
        %add3A_142 = arith.constant 0 : i32
        %add3A_143 = arith.addi %mul3A_141, %add3A_142 : i32
        %dma_wait3A_144 = arith.constant 0 : i32
        %dma_wait3A_145 = arith.constant 0 : i32
        %dma_wait3A_146 = tpu.memref_slice %arg2[%dma_wait3A_144, %dma_wait3A_145] : memref<627200x128xf32, #tpu.memory_space<hbm>> -> memref<112x128xf32, #tpu.memory_space<hbm>>
        %dma_wait3A_147 = arith.constant 0 : i32
        %dma_wait3A_148 = arith.constant 0 : i32
        %dma_wait3A_149 = tpu.memref_slice %arg2[%dma_wait3A_147, %dma_wait3A_148] : memref<627200x128xf32, #tpu.memory_space<hbm>> -> memref<112x128xf32, #tpu.memory_space<hbm>>
        tpu.wait_dma2 semaphore(%arg14 : memref<!tpu.dma_semaphore, #tpu.memory_space<semaphore_mem>>) src(%dma_wait3A_149 : memref<112x128xf32, #tpu.memory_space<hbm>>) dst(%arg9 : memref<112x128xf32, #tpu.memory_space<vmem>>)
        %add3A_150 = arith.addi %add3A_131, %add3A_143 : i32
        %dma_start3A_151 = arith.constant 0 : i32
        %dma_start3A_152 = tpu.memref_slice %arg2[%add3A_150, %dma_start3A_151] : memref<627200x128xf32, #tpu.memory_space<hbm>> -> memref<112x128xf32, #tpu.memory_space<hbm>>
        %dma_start3A_153 = arith.constant 0 : i32
        %dma_start3A_154 = tpu.memref_slice %arg2[%add3A_150, %dma_start3A_153] : memref<627200x128xf32, #tpu.memory_space<hbm>> -> memref<112x128xf32, #tpu.memory_space<hbm>>
        tpu.enqueue_dma source(%dma_start3A_154 : memref<112x128xf32, #tpu.memory_space<hbm>>) target(%arg9 : memref<112x128xf32, #tpu.memory_space<vmem>>) target_semaphore(%arg12 : memref<!tpu.dma_semaphore, #tpu.memory_space<semaphore_mem>>)
        %add3A_155 = arith.constant 0 : i32
        %add3A_156 = arith.addi %add3A_143, %add3A_155 : i32
        %get3A = arith.index_cast %add3A_156 : i32 to index
        %get3A_157 = tpu.vector_load %arg6[%get3A] {strides = array<i32>} : memref<1568xi32, #tpu.memory_space<vmem>>, vector<16xi32>,
        %ge3A = vector.broadcast %mul3A_4 : i32 to vector<16xi32>
        %ge3A_158 = arith.cmpi sge, %get3A_157, %ge3A : vector<16xi32>
        %add3A_159 = arith.constant 12544 : i32
        %add3A_160 = arith.addi %mul3A_4, %add3A_159 : i32
        %lt3A = vector.broadcast %add3A_160 : i32 to vector<16xi32>
        %lt3A_161 = arith.cmpi slt, %get3A_157, %lt3A : vector<16xi32>
        %and3A = arith.andi %ge3A_158, %lt3A_161 : vector<16xi1>
        %sub3A = vector.broadcast %mul3A_4 : i32 to vector<16xi32>
        %sub3A_162 = arith.subi %get3A_157, %sub3A : vector<16xi32>
        %jit3A = arith.constant 12544 : i32
        %broadcast_in_dim3A_163 = vector.broadcast %jit3A : i32 to vector<16xi32>
        %select_n3A = arith.select %and3A, %sub3A_162, %broadcast_in_dim3A_163 : vector<16xi1>, vector<16xi32>
        %swap3A_164 = arith.constant 0 : index
        %swap3A_165 = tpu.vector_load %arg7[%swap3A_164] {strides = array<i32>} : memref<112xi32, #tpu.memory_space<vmem>>, vector<16xi32>,
        tpu.vector_store %arg7[%swap3A_164], %select_n3A {strides = array<i32>} : memref<112xi32, #tpu.memory_space<vmem>>, vector<16xi32>,
        %add3A_166 = arith.constant 16 : i32
        %add3A_167 = arith.addi %add3A_143, %add3A_166 : i32
        %get3A_168 = arith.index_cast %add3A_167 : i32 to index
        %get3A_169 = tpu.vector_load %arg6[%get3A_168] {strides = array<i32>} : memref<1568xi32, #tpu.memory_space<vmem>>, vector<16xi32>,
        %ge3A_170 = vector.broadcast %mul3A_4 : i32 to vector<16xi32>
        %ge3A_171 = arith.cmpi sge, %get3A_169, %ge3A_170 : vector<16xi32>
        %add3A_172 = arith.constant 12544 : i32
        %add3A_173 = arith.addi %mul3A_4, %add3A_172 : i32
        %lt3A_174 = vector.broadcast %add3A_173 : i32 to vector<16xi32>
        %lt3A_175 = arith.cmpi slt, %get3A_169, %lt3A_174 : vector<16xi32>
        %and3A_176 = arith.andi %ge3A_171, %lt3A_175 : vector<16xi1>
        %sub3A_177 = vector.broadcast %mul3A_4 : i32 to vector<16xi32>
        %sub3A_178 = arith.subi %get3A_169, %sub3A_177 : vector<16xi32>
        %jit3A_179 = arith.constant 12544 : i32
        %broadcast_in_dim3A_180 = vector.broadcast %jit3A_179 : i32 to vector<16xi32>
        %select_n3A_181 = arith.select %and3A_176, %sub3A_178, %broadcast_in_dim3A_180 : vector<16xi1>, vector<16xi32>
        %swap3A_182 = arith.constant 16 : index
        %swap3A_183 = tpu.vector_load %arg7[%swap3A_182] {strides = array<i32>} : memref<112xi32, #tpu.memory_space<vmem>>, vector<16xi32>,
        tpu.vector_store %arg7[%swap3A_182], %select_n3A_181 {strides = array<i32>} : memref<112xi32, #tpu.memory_space<vmem>>, vector<16xi32>,
        %add3A_184 = arith.constant 32 : i32
        %add3A_185 = arith.addi %add3A_143, %add3A_184 : i32
        %get3A_186 = arith.index_cast %add3A_185 : i32 to index
        %get3A_187 = tpu.vector_load %arg6[%get3A_186] {strides = array<i32>} : memref<1568xi32, #tpu.memory_space<vmem>>, vector<16xi32>,
        %ge3A_188 = vector.broadcast %mul3A_4 : i32 to vector<16xi32>
        %ge3A_189 = arith.cmpi sge, %get3A_187, %ge3A_188 : vector<16xi32>
        %add3A_190 = arith.constant 12544 : i32
        %add3A_191 = arith.addi %mul3A_4, %add3A_190 : i32
        %lt3A_192 = vector.broadcast %add3A_191 : i32 to vector<16xi32>
        %lt3A_193 = arith.cmpi slt, %get3A_187, %lt3A_192 : vector<16xi32>
        %and3A_194 = arith.andi %ge3A_189, %lt3A_193 : vector<16xi1>
        %sub3A_195 = vector.broadcast %mul3A_4 : i32 to vector<16xi32>
        %sub3A_196 = arith.subi %get3A_187, %sub3A_195 : vector<16xi32>
        %jit3A_197 = arith.constant 12544 : i32
        %broadcast_in_dim3A_198 = vector.broadcast %jit3A_197 : i32 to vector<16xi32>
        %select_n3A_199 = arith.select %and3A_194, %sub3A_196, %broadcast_in_dim3A_198 : vector<16xi1>, vector<16xi32>
        %swap3A_200 = arith.constant 32 : index
        %swap3A_201 = tpu.vector_load %arg7[%swap3A_200] {strides = array<i32>} : memref<112xi32, #tpu.memory_space<vmem>>, vector<16xi32>,
        tpu.vector_store %arg7[%swap3A_200], %select_n3A_199 {strides = array<i32>} : memref<112xi32, #tpu.memory_space<vmem>>, vector<16xi32>,
        %add3A_202 = arith.constant 48 : i32
        %add3A_203 = arith.addi %add3A_143, %add3A_202 : i32
        %get3A_204 = arith.index_cast %add3A_203 : i32 to index
        %get3A_205 = tpu.vector_load %arg6[%get3A_204] {strides = array<i32>} : memref<1568xi32, #tpu.memory_space<vmem>>, vector<16xi32>,
        %ge3A_206 = vector.broadcast %mul3A_4 : i32 to vector<16xi32>
        %ge3A_207 = arith.cmpi sge, %get3A_205, %ge3A_206 : vector<16xi32>
        %add3A_208 = arith.constant 12544 : i32
        %add3A_209 = arith.addi %mul3A_4, %add3A_208 : i32
        %lt3A_210 = vector.broadcast %add3A_209 : i32 to vector<16xi32>
        %lt3A_211 = arith.cmpi slt, %get3A_205, %lt3A_210 : vector<16xi32>
        %and3A_212 = arith.andi %ge3A_207, %lt3A_211 : vector<16xi1>
        %sub3A_213 = vector.broadcast %mul3A_4 : i32 to vector<16xi32>
        %sub3A_214 = arith.subi %get3A_205, %sub3A_213 : vector<16xi32>
        %jit3A_215 = arith.constant 12544 : i32
        %broadcast_in_dim3A_216 = vector.broadcast %jit3A_215 : i32 to vector<16xi32>
        %select_n3A_217 = arith.select %and3A_212, %sub3A_214, %broadcast_in_dim3A_216 : vector<16xi1>, vector<16xi32>
        %swap3A_218 = arith.constant 48 : index
        %swap3A_219 = tpu.vector_load %arg7[%swap3A_218] {strides = array<i32>} : memref<112xi32, #tpu.memory_space<vmem>>, vector<16xi32>,
        tpu.vector_store %arg7[%swap3A_218], %select_n3A_217 {strides = array<i32>} : memref<112xi32, #tpu.memory_space<vmem>>, vector<16xi32>,
        %add3A_220 = arith.constant 64 : i32
        %add3A_221 = arith.addi %add3A_143, %add3A_220 : i32
        %get3A_222 = arith.index_cast %add3A_221 : i32 to index
        %get3A_223 = tpu.vector_load %arg6[%get3A_222] {strides = array<i32>} : memref<1568xi32, #tpu.memory_space<vmem>>, vector<16xi32>,
        %ge3A_224 = vector.broadcast %mul3A_4 : i32 to vector<16xi32>
        %ge3A_225 = arith.cmpi sge, %get3A_223, %ge3A_224 : vector<16xi32>
        %add3A_226 = arith.constant 12544 : i32
        %add3A_227 = arith.addi %mul3A_4, %add3A_226 : i32
        %lt3A_228 = vector.broadcast %add3A_227 : i32 to vector<16xi32>
        %lt3A_229 = arith.cmpi slt, %get3A_223, %lt3A_228 : vector<16xi32>
        %and3A_230 = arith.andi %ge3A_225, %lt3A_229 : vector<16xi1>
        %sub3A_231 = vector.broadcast %mul3A_4 : i32 to vector<16xi32>
        %sub3A_232 = arith.subi %get3A_223, %sub3A_231 : vector<16xi32>
        %jit3A_233 = arith.constant 12544 : i32
        %broadcast_in_dim3A_234 = vector.broadcast %jit3A_233 : i32 to vector<16xi32>
        %select_n3A_235 = arith.select %and3A_230, %sub3A_232, %broadcast_in_dim3A_234 : vector<16xi1>, vector<16xi32>
        %swap3A_236 = arith.constant 64 : index
        %swap3A_237 = tpu.vector_load %arg7[%swap3A_236] {strides = array<i32>} : memref<112xi32, #tpu.memory_space<vmem>>, vector<16xi32>,
        tpu.vector_store %arg7[%swap3A_236], %select_n3A_235 {strides = array<i32>} : memref<112xi32, #tpu.memory_space<vmem>>, vector<16xi32>,
        %add3A_238 = arith.constant 80 : i32
        %add3A_239 = arith.addi %add3A_143, %add3A_238 : i32
        %get3A_240 = arith.index_cast %add3A_239 : i32 to index
        %get3A_241 = tpu.vector_load %arg6[%get3A_240] {strides = array<i32>} : memref<1568xi32, #tpu.memory_space<vmem>>, vector<16xi32>,
        %ge3A_242 = vector.broadcast %mul3A_4 : i32 to vector<16xi32>
        %ge3A_243 = arith.cmpi sge, %get3A_241, %ge3A_242 : vector<16xi32>
        %add3A_244 = arith.constant 12544 : i32
        %add3A_245 = arith.addi %mul3A_4, %add3A_244 : i32
        %lt3A_246 = vector.broadcast %add3A_245 : i32 to vector<16xi32>
        %lt3A_247 = arith.cmpi slt, %get3A_241, %lt3A_246 : vector<16xi32>
        %and3A_248 = arith.andi %ge3A_243, %lt3A_247 : vector<16xi1>
        %sub3A_249 = vector.broadcast %mul3A_4 : i32 to vector<16xi32>
        %sub3A_250 = arith.subi %get3A_241, %sub3A_249 : vector<16xi32>
        %jit3A_251 = arith.constant 12544 : i32
        %broadcast_in_dim3A_252 = vector.broadcast %jit3A_251 : i32 to vector<16xi32>
        %select_n3A_253 = arith.select %and3A_248, %sub3A_250, %broadcast_in_dim3A_252 : vector<16xi1>, vector<16xi32>
        %swap3A_254 = arith.constant 80 : index
        %swap3A_255 = tpu.vector_load %arg7[%swap3A_254] {strides = array<i32>} : memref<112xi32, #tpu.memory_space<vmem>>, vector<16xi32>,
        tpu.vector_store %arg7[%swap3A_254], %select_n3A_253 {strides = array<i32>} : memref<112xi32, #tpu.memory_space<vmem>>, vector<16xi32>,
        %add3A_256 = arith.constant 96 : i32
        %add3A_257 = arith.addi %add3A_143, %add3A_256 : i32
        %get3A_258 = arith.index_cast %add3A_257 : i32 to index
        %get3A_259 = tpu.vector_load %arg6[%get3A_258] {strides = array<i32>} : memref<1568xi32, #tpu.memory_space<vmem>>, vector<16xi32>,
        %ge3A_260 = vector.broadcast %mul3A_4 : i32 to vector<16xi32>
        %ge3A_261 = arith.cmpi sge, %get3A_259, %ge3A_260 : vector<16xi32>
        %add3A_262 = arith.constant 12544 : i32
        %add3A_263 = arith.addi %mul3A_4, %add3A_262 : i32
        %lt3A_264 = vector.broadcast %add3A_263 : i32 to vector<16xi32>
        %lt3A_265 = arith.cmpi slt, %get3A_259, %lt3A_264 : vector<16xi32>
        %and3A_266 = arith.andi %ge3A_261, %lt3A_265 : vector<16xi1>
        %sub3A_267 = vector.broadcast %mul3A_4 : i32 to vector<16xi32>
        %sub3A_268 = arith.subi %get3A_259, %sub3A_267 : vector<16xi32>
        %jit3A_269 = arith.constant 12544 : i32
        %broadcast_in_dim3A_270 = vector.broadcast %jit3A_269 : i32 to vector<16xi32>
        %select_n3A_271 = arith.select %and3A_266, %sub3A_268, %broadcast_in_dim3A_270 : vector<16xi1>, vector<16xi32>
        %swap3A_272 = arith.constant 96 : index
        %swap3A_273 = tpu.vector_load %arg7[%swap3A_272] {strides = array<i32>} : memref<112xi32, #tpu.memory_space<vmem>>, vector<16xi32>,
        tpu.vector_store %arg7[%swap3A_272], %select_n3A_271 {strides = array<i32>} : memref<112xi32, #tpu.memory_space<vmem>>, vector<16xi32>,
        %dma_wait3A_274 = arith.constant 0 : i32
        %dma_wait3A_275 = tpu.memref_slice %arg2[%add3A_150, %dma_wait3A_274] : memref<627200x128xf32, #tpu.memory_space<hbm>> -> memref<112x128xf32, #tpu.memory_space<hbm>>
        %dma_wait3A_276 = arith.constant 0 : i32
        %dma_wait3A_277 = tpu.memref_slice %arg2[%add3A_150, %dma_wait3A_276] : memref<627200x128xf32, #tpu.memory_space<hbm>> -> memref<112x128xf32, #tpu.memory_space<hbm>>
        tpu.wait_dma2 semaphore(%arg12 : memref<!tpu.dma_semaphore, #tpu.memory_space<semaphore_mem>>) src(%dma_wait3A_277 : memref<112x128xf32, #tpu.memory_space<hbm>>) dst(%arg9 : memref<112x128xf32, #tpu.memory_space<vmem>>)
        %dma_start3A_278 = arith.constant 0 : i32
        %dma_start3A_279 = arith.constant 0 : i32
        %dma_start3A_280 = tpu.memref_slice %arg11[%dma_start3A_278, %dma_start3A_279] : memref<12560x128xf32, #tpu.memory_space<vmem_shared>> -> memref<12560x128xf32, #tpu.memory_space<vmem_shared>>
        tpu.enqueue_indirect_dma source(%arg9 : memref<112x128xf32, #tpu.memory_space<vmem>>) target(%dma_start3A_280 : memref<12560x128xf32, #tpu.memory_space<vmem_shared>>) offsets(%arg7 : memref<112xi32, #tpu.memory_space<vmem>>) semaphore(%arg14 : memref<!tpu.dma_semaphore, #tpu.memory_space<semaphore_mem>>) {add = true}
        %mul3A_281 = arith.constant 2 : i32
        %mul3A_282 = arith.muli %scan3A_137, %mul3A_281 : i32
        %mul3A_283 = arith.constant 112 : i32
        %mul3A_284 = arith.muli %mul3A_282, %mul3A_283 : i32
        %add3A_285 = arith.constant 112 : i32
        %add3A_286 = arith.addi %mul3A_284, %add3A_285 : i32
        %dma_wait3A_287 = arith.constant 0 : i32
        %dma_wait3A_288 = arith.constant 0 : i32
        %dma_wait3A_289 = tpu.memref_slice %arg2[%dma_wait3A_287, %dma_wait3A_288] : memref<627200x128xf32, #tpu.memory_space<hbm>> -> memref<112x128xf32, #tpu.memory_space<hbm>>
        %dma_wait3A_290 = arith.constant 0 : i32
        %dma_wait3A_291 = arith.constant 0 : i32
        %dma_wait3A_292 = tpu.memref_slice %arg2[%dma_wait3A_290, %dma_wait3A_291] : memref<627200x128xf32, #tpu.memory_space<hbm>> -> memref<112x128xf32, #tpu.memory_space<hbm>>
        tpu.wait_dma2 semaphore(%arg15 : memref<!tpu.dma_semaphore, #tpu.memory_space<semaphore_mem>>) src(%dma_wait3A_292 : memref<112x128xf32, #tpu.memory_space<hbm>>) dst(%arg10 : memref<112x128xf32, #tpu.memory_space<vmem>>)
        %add3A_293 = arith.addi %add3A_131, %add3A_286 : i32
        %dma_start3A_294 = arith.constant 0 : i32
        %dma_start3A_295 = tpu.memref_slice %arg2[%add3A_293, %dma_start3A_294] : memref<627200x128xf32, #tpu.memory_space<hbm>> -> memref<112x128xf32, #tpu.memory_space<hbm>>
        %dma_start3A_296 = arith.constant 0 : i32
        %dma_start3A_297 = tpu.memref_slice %arg2[%add3A_293, %dma_start3A_296] : memref<627200x128xf32, #tpu.memory_space<hbm>> -> memref<112x128xf32, #tpu.memory_space<hbm>>
        tpu.enqueue_dma source(%dma_start3A_297 : memref<112x128xf32, #tpu.memory_space<hbm>>) target(%arg10 : memref<112x128xf32, #tpu.memory_space<vmem>>) target_semaphore(%arg13 : memref<!tpu.dma_semaphore, #tpu.memory_space<semaphore_mem>>)
        %add3A_298 = arith.constant 0 : i32
        %add3A_299 = arith.addi %add3A_286, %add3A_298 : i32
        %get3A_300 = arith.index_cast %add3A_299 : i32 to index
        %get3A_301 = tpu.vector_load %arg6[%get3A_300] {strides = array<i32>} : memref<1568xi32, #tpu.memory_space<vmem>>, vector<16xi32>,
        %ge3A_302 = vector.broadcast %mul3A_4 : i32 to vector<16xi32>
        %ge3A_303 = arith.cmpi sge, %get3A_301, %ge3A_302 : vector<16xi32>
        %add3A_304 = arith.constant 12544 : i32
        %add3A_305 = arith.addi %mul3A_4, %add3A_304 : i32
        %lt3A_306 = vector.broadcast %add3A_305 : i32 to vector<16xi32>
        %lt3A_307 = arith.cmpi slt, %get3A_301, %lt3A_306 : vector<16xi32>
        %and3A_308 = arith.andi %ge3A_303, %lt3A_307 : vector<16xi1>
        %sub3A_309 = vector.broadcast %mul3A_4 : i32 to vector<16xi32>
        %sub3A_310 = arith.subi %get3A_301, %sub3A_309 : vector<16xi32>
        %jit3A_311 = arith.constant 12544 : i32
        %broadcast_in_dim3A_312 = vector.broadcast %jit3A_311 : i32 to vector<16xi32>
        %select_n3A_313 = arith.select %and3A_308, %sub3A_310, %broadcast_in_dim3A_312 : vector<16xi1>, vector<16xi32>
        %swap3A_314 = arith.constant 0 : index
        %swap3A_315 = tpu.vector_load %arg8[%swap3A_314] {strides = array<i32>} : memref<112xi32, #tpu.memory_space<vmem>>, vector<16xi32>,
        tpu.vector_store %arg8[%swap3A_314], %select_n3A_313 {strides = array<i32>} : memref<112xi32, #tpu.memory_space<vmem>>, vector<16xi32>,
        %add3A_316 = arith.constant 16 : i32
        %add3A_317 = arith.addi %add3A_286, %add3A_316 : i32
        %get3A_318 = arith.index_cast %add3A_317 : i32 to index
        %get3A_319 = tpu.vector_load %arg6[%get3A_318] {strides = array<i32>} : memref<1568xi32, #tpu.memory_space<vmem>>, vector<16xi32>,
        %ge3A_320 = vector.broadcast %mul3A_4 : i32 to vector<16xi32>
        %ge3A_321 = arith.cmpi sge, %get3A_319, %ge3A_320 : vector<16xi32>
        %add3A_322 = arith.constant 12544 : i32
        %add3A_323 = arith.addi %mul3A_4, %add3A_322 : i32
        %lt3A_324 = vector.broadcast %add3A_323 : i32 to vector<16xi32>
        %lt3A_325 = arith.cmpi slt, %get3A_319, %lt3A_324 : vector<16xi32>
        %and3A_326 = arith.andi %ge3A_321, %lt3A_325 : vector<16xi1>
        %sub3A_327 = vector.broadcast %mul3A_4 : i32 to vector<16xi32>
        %sub3A_328 = arith.subi %get3A_319, %sub3A_327 : vector<16xi32>
        %jit3A_329 = arith.constant 12544 : i32
        %broadcast_in_dim3A_330 = vector.broadcast %jit3A_329 : i32 to vector<16xi32>
        %select_n3A_331 = arith.select %and3A_326, %sub3A_328, %broadcast_in_dim3A_330 : vector<16xi1>, vector<16xi32>
        %swap3A_332 = arith.constant 16 : index
        %swap3A_333 = tpu.vector_load %arg8[%swap3A_332] {strides = array<i32>} : memref<112xi32, #tpu.memory_space<vmem>>, vector<16xi32>,
        tpu.vector_store %arg8[%swap3A_332], %select_n3A_331 {strides = array<i32>} : memref<112xi32, #tpu.memory_space<vmem>>, vector<16xi32>,
        %add3A_334 = arith.constant 32 : i32
        %add3A_335 = arith.addi %add3A_286, %add3A_334 : i32
        %get3A_336 = arith.index_cast %add3A_335 : i32 to index
        %get3A_337 = tpu.vector_load %arg6[%get3A_336] {strides = array<i32>} : memref<1568xi32, #tpu.memory_space<vmem>>, vector<16xi32>,
        %ge3A_338 = vector.broadcast %mul3A_4 : i32 to vector<16xi32>
        %ge3A_339 = arith.cmpi sge, %get3A_337, %ge3A_338 : vector<16xi32>
        %add3A_340 = arith.constant 12544 : i32
        %add3A_341 = arith.addi %mul3A_4, %add3A_340 : i32
        %lt3A_342 = vector.broadcast %add3A_341 : i32 to vector<16xi32>
        %lt3A_343 = arith.cmpi slt, %get3A_337, %lt3A_342 : vector<16xi32>
        %and3A_344 = arith.andi %ge3A_339, %lt3A_343 : vector<16xi1>
        %sub3A_345 = vector.broadcast %mul3A_4 : i32 to vector<16xi32>
        %sub3A_346 = arith.subi %get3A_337, %sub3A_345 : vector<16xi32>
        %jit3A_347 = arith.constant 12544 : i32
        %broadcast_in_dim3A_348 = vector.broadcast %jit3A_347 : i32 to vector<16xi32>
        %select_n3A_349 = arith.select %and3A_344, %sub3A_346, %broadcast_in_dim3A_348 : vector<16xi1>, vector<16xi32>
        %swap3A_350 = arith.constant 32 : index
        %swap3A_351 = tpu.vector_load %arg8[%swap3A_350] {strides = array<i32>} : memref<112xi32, #tpu.memory_space<vmem>>, vector<16xi32>,
        tpu.vector_store %arg8[%swap3A_350], %select_n3A_349 {strides = array<i32>} : memref<112xi32, #tpu.memory_space<vmem>>, vector<16xi32>,
        %add3A_352 = arith.constant 48 : i32
        %add3A_353 = arith.addi %add3A_286, %add3A_352 : i32
        %get3A_354 = arith.index_cast %add3A_353 : i32 to index
        %get3A_355 = tpu.vector_load %arg6[%get3A_354] {strides = array<i32>} : memref<1568xi32, #tpu.memory_space<vmem>>, vector<16xi32>,
        %ge3A_356 = vector.broadcast %mul3A_4 : i32 to vector<16xi32>
        %ge3A_357 = arith.cmpi sge, %get3A_355, %ge3A_356 : vector<16xi32>
        %add3A_358 = arith.constant 12544 : i32
        %add3A_359 = arith.addi %mul3A_4, %add3A_358 : i32
        %lt3A_360 = vector.broadcast %add3A_359 : i32 to vector<16xi32>
        %lt3A_361 = arith.cmpi slt, %get3A_355, %lt3A_360 : vector<16xi32>
        %and3A_362 = arith.andi %ge3A_357, %lt3A_361 : vector<16xi1>
        %sub3A_363 = vector.broadcast %mul3A_4 : i32 to vector<16xi32>
        %sub3A_364 = arith.subi %get3A_355, %sub3A_363 : vector<16xi32>
        %jit3A_365 = arith.constant 12544 : i32
        %broadcast_in_dim3A_366 = vector.broadcast %jit3A_365 : i32 to vector<16xi32>
        %select_n3A_367 = arith.select %and3A_362, %sub3A_364, %broadcast_in_dim3A_366 : vector<16xi1>, vector<16xi32>
        %swap3A_368 = arith.constant 48 : index
        %swap3A_369 = tpu.vector_load %arg8[%swap3A_368] {strides = array<i32>} : memref<112xi32, #tpu.memory_space<vmem>>, vector<16xi32>,
        tpu.vector_store %arg8[%swap3A_368], %select_n3A_367 {strides = array<i32>} : memref<112xi32, #tpu.memory_space<vmem>>, vector<16xi32>,
        %add3A_370 = arith.constant 64 : i32
        %add3A_371 = arith.addi %add3A_286, %add3A_370 : i32
        %get3A_372 = arith.index_cast %add3A_371 : i32 to index
        %get3A_373 = tpu.vector_load %arg6[%get3A_372] {strides = array<i32>} : memref<1568xi32, #tpu.memory_space<vmem>>, vector<16xi32>,
        %ge3A_374 = vector.broadcast %mul3A_4 : i32 to vector<16xi32>
        %ge3A_375 = arith.cmpi sge, %get3A_373, %ge3A_374 : vector<16xi32>
        %add3A_376 = arith.constant 12544 : i32
        %add3A_377 = arith.addi %mul3A_4, %add3A_376 : i32
        %lt3A_378 = vector.broadcast %add3A_377 : i32 to vector<16xi32>
        %lt3A_379 = arith.cmpi slt, %get3A_373, %lt3A_378 : vector<16xi32>
        %and3A_380 = arith.andi %ge3A_375, %lt3A_379 : vector<16xi1>
        %sub3A_381 = vector.broadcast %mul3A_4 : i32 to vector<16xi32>
        %sub3A_382 = arith.subi %get3A_373, %sub3A_381 : vector<16xi32>
        %jit3A_383 = arith.constant 12544 : i32
        %broadcast_in_dim3A_384 = vector.broadcast %jit3A_383 : i32 to vector<16xi32>
        %select_n3A_385 = arith.select %and3A_380, %sub3A_382, %broadcast_in_dim3A_384 : vector<16xi1>, vector<16xi32>
        %swap3A_386 = arith.constant 64 : index
        %swap3A_387 = tpu.vector_load %arg8[%swap3A_386] {strides = array<i32>} : memref<112xi32, #tpu.memory_space<vmem>>, vector<16xi32>,
        tpu.vector_store %arg8[%swap3A_386], %select_n3A_385 {strides = array<i32>} : memref<112xi32, #tpu.memory_space<vmem>>, vector<16xi32>,
        %add3A_388 = arith.constant 80 : i32
        %add3A_389 = arith.addi %add3A_286, %add3A_388 : i32
        %get3A_390 = arith.index_cast %add3A_389 : i32 to index
        %get3A_391 = tpu.vector_load %arg6[%get3A_390] {strides = array<i32>} : memref<1568xi32, #tpu.memory_space<vmem>>, vector<16xi32>,
        %ge3A_392 = vector.broadcast %mul3A_4 : i32 to vector<16xi32>
        %ge3A_393 = arith.cmpi sge, %get3A_391, %ge3A_392 : vector<16xi32>
        %add3A_394 = arith.constant 12544 : i32
        %add3A_395 = arith.addi %mul3A_4, %add3A_394 : i32
        %lt3A_396 = vector.broadcast %add3A_395 : i32 to vector<16xi32>
        %lt3A_397 = arith.cmpi slt, %get3A_391, %lt3A_396 : vector<16xi32>
        %and3A_398 = arith.andi %ge3A_393, %lt3A_397 : vector<16xi1>
        %sub3A_399 = vector.broadcast %mul3A_4 : i32 to vector<16xi32>
        %sub3A_400 = arith.subi %get3A_391, %sub3A_399 : vector<16xi32>
        %jit3A_401 = arith.constant 12544 : i32
        %broadcast_in_dim3A_402 = vector.broadcast %jit3A_401 : i32 to vector<16xi32>
        %select_n3A_403 = arith.select %and3A_398, %sub3A_400, %broadcast_in_dim3A_402 : vector<16xi1>, vector<16xi32>
        %swap3A_404 = arith.constant 80 : index
        %swap3A_405 = tpu.vector_load %arg8[%swap3A_404] {strides = array<i32>} : memref<112xi32, #tpu.memory_space<vmem>>, vector<16xi32>,
        tpu.vector_store %arg8[%swap3A_404], %select_n3A_403 {strides = array<i32>} : memref<112xi32, #tpu.memory_space<vmem>>, vector<16xi32>,
        %add3A_406 = arith.constant 96 : i32
        %add3A_407 = arith.addi %add3A_286, %add3A_406 : i32
        %get3A_408 = arith.index_cast %add3A_407 : i32 to index
        %get3A_409 = tpu.vector_load %arg6[%get3A_408] {strides = array<i32>} : memref<1568xi32, #tpu.memory_space<vmem>>, vector<16xi32>,
        %ge3A_410 = vector.broadcast %mul3A_4 : i32 to vector<16xi32>
        %ge3A_411 = arith.cmpi sge, %get3A_409, %ge3A_410 : vector<16xi32>
        %add3A_412 = arith.constant 12544 : i32
        %add3A_413 = arith.addi %mul3A_4, %add3A_412 : i32
        %lt3A_414 = vector.broadcast %add3A_413 : i32 to vector<16xi32>
        %lt3A_415 = arith.cmpi slt, %get3A_409, %lt3A_414 : vector<16xi32>
        %and3A_416 = arith.andi %ge3A_411, %lt3A_415 : vector<16xi1>
        %sub3A_417 = vector.broadcast %mul3A_4 : i32 to vector<16xi32>
        %sub3A_418 = arith.subi %get3A_409, %sub3A_417 : vector<16xi32>
        %jit3A_419 = arith.constant 12544 : i32
        %broadcast_in_dim3A_420 = vector.broadcast %jit3A_419 : i32 to vector<16xi32>
        %select_n3A_421 = arith.select %and3A_416, %sub3A_418, %broadcast_in_dim3A_420 : vector<16xi1>, vector<16xi32>
        %swap3A_422 = arith.constant 96 : index
        %swap3A_423 = tpu.vector_load %arg8[%swap3A_422] {strides = array<i32>} : memref<112xi32, #tpu.memory_space<vmem>>, vector<16xi32>,
        tpu.vector_store %arg8[%swap3A_422], %select_n3A_421 {strides = array<i32>} : memref<112xi32, #tpu.memory_space<vmem>>, vector<16xi32>,
        %dma_wait3A_424 = arith.constant 0 : i32
        %dma_wait3A_425 = tpu.memref_slice %arg2[%add3A_293, %dma_wait3A_424] : memref<627200x128xf32, #tpu.memory_space<hbm>> -> memref<112x128xf32, #tpu.memory_space<hbm>>
        %dma_wait3A_426 = arith.constant 0 : i32
        %dma_wait3A_427 = tpu.memref_slice %arg2[%add3A_293, %dma_wait3A_426] : memref<627200x128xf32, #tpu.memory_space<hbm>> -> memref<112x128xf32, #tpu.memory_space<hbm>>
        tpu.wait_dma2 semaphore(%arg13 : memref<!tpu.dma_semaphore, #tpu.memory_space<semaphore_mem>>) src(%dma_wait3A_427 : memref<112x128xf32, #tpu.memory_space<hbm>>) dst(%arg10 : memref<112x128xf32, #tpu.memory_space<vmem>>)
        %dma_start3A_428 = arith.constant 0 : i32
        %dma_start3A_429 = arith.constant 0 : i32
        %dma_start3A_430 = tpu.memref_slice %arg11[%dma_start3A_428, %dma_start3A_429] : memref<12560x128xf32, #tpu.memory_space<vmem_shared>> -> memref<12560x128xf32, #tpu.memory_space<vmem_shared>>
        tpu.enqueue_indirect_dma source(%arg10 : memref<112x128xf32, #tpu.memory_space<vmem>>) target(%dma_start3A_430 : memref<12560x128xf32, #tpu.memory_space<vmem_shared>>) offsets(%arg8 : memref<112xi32, #tpu.memory_space<vmem>>) semaphore(%arg15 : memref<!tpu.dma_semaphore, #tpu.memory_space<semaphore_mem>>) {add = true}
      }
      %scan3A_136 = arith.constant 7 : i32
    }
    %scan3A_43 = arith.constant 25 : i32
    %dma_wait3A = arith.constant 0 : i32
    %dma_wait3A_44 = arith.constant 0 : i32
    %dma_wait3A_45 = tpu.memref_slice %arg2[%dma_wait3A, %dma_wait3A_44] : memref<627200x128xf32, #tpu.memory_space<hbm>> -> memref<112x128xf32, #tpu.memory_space<hbm>>
    %dma_wait3A_46 = arith.constant 0 : i32
    %dma_wait3A_47 = arith.constant 0 : i32
    %dma_wait3A_48 = tpu.memref_slice %arg2[%dma_wait3A_46, %dma_wait3A_47] : memref<627200x128xf32, #tpu.memory_space<hbm>> -> memref<112x128xf32, #tpu.memory_space<hbm>>
    tpu.wait_dma2 semaphore(%arg14 : memref<!tpu.dma_semaphore, #tpu.memory_space<semaphore_mem>>) src(%dma_wait3A_48 : memref<112x128xf32, #tpu.memory_space<hbm>>) dst(%arg9 : memref<112x128xf32, #tpu.memory_space<vmem>>)
    %dma_wait3A_49 = arith.constant 0 : i32
    %dma_wait3A_50 = arith.constant 0 : i32
    %dma_wait3A_51 = tpu.memref_slice %arg2[%dma_wait3A_49, %dma_wait3A_50] : memref<627200x128xf32, #tpu.memory_space<hbm>> -> memref<112x128xf32, #tpu.memory_space<hbm>>
    %dma_wait3A_52 = arith.constant 0 : i32
    %dma_wait3A_53 = arith.constant 0 : i32
    %dma_wait3A_54 = tpu.memref_slice %arg2[%dma_wait3A_52, %dma_wait3A_53] : memref<627200x128xf32, #tpu.memory_space<hbm>> -> memref<112x128xf32, #tpu.memory_space<hbm>>
    tpu.wait_dma2 semaphore(%arg15 : memref<!tpu.dma_semaphore, #tpu.memory_space<semaphore_mem>>) src(%dma_wait3A_54 : memref<112x128xf32, #tpu.memory_space<hbm>>) dst(%arg10 : memref<112x128xf32, #tpu.memory_space<vmem>>)
    %barrier3A_55 = arith.constant 0 : index
    tpu.barrier barrier_id(%barrier3A_55)
    %mul3A_56 = arith.constant 784 : i32
    %mul3A_57 = arith.muli %arg1, %mul3A_56 : i32
    %mul3A_58 = arith.constant 784 : i32
    %mul3A_59 = arith.muli %arg1, %mul3A_58 : i32
    %add3A_60 = arith.addi %mul3A_4, %mul3A_59 : i32
    "tpu.region"() ({
      %run_scoped3A = tpu.sem_alloc : memref<!tpu.dma_semaphore, #tpu.memory_space<semaphore_mem>>
      %dma_start3A_128 = arith.constant 0 : i32
      %dma_start3A_129 = tpu.memref_slice %arg5[%add3A_60, %dma_start3A_128] : memref<50176x128xf32, #tpu.memory_space<hbm>> -> memref<784x128xf32, #tpu.memory_space<hbm>>
      %dma_start3A_130 = arith.constant 0 : i32
      %dma_start3A_131 = tpu.memref_slice %arg11[%mul3A_57, %dma_start3A_130] : memref<12560x128xf32, #tpu.memory_space<vmem_shared>> -> memref<784x128xf32, #tpu.memory_space<vmem_shared>>
      tpu.enqueue_dma source(%dma_start3A_131 : memref<784x128xf32, #tpu.memory_space<vmem_shared>>) target(%dma_start3A_129 : memref<784x128xf32, #tpu.memory_space<hbm>>) target_semaphore(%run_scoped3A : memref<!tpu.dma_semaphore, #tpu.memory_space<semaphore_mem>>)
      %dma_wait3A_132 = arith.constant 0 : i32
      %dma_wait3A_133 = tpu.memref_slice %arg5[%add3A_60, %dma_wait3A_132] : memref<50176x128xf32, #tpu.memory_space<hbm>> -> memref<784x128xf32, #tpu.memory_space<hbm>>
      %dma_wait3A_134 = arith.constant 0 : i32
      %dma_wait3A_135 = tpu.memref_slice %arg11[%mul3A_57, %dma_wait3A_134] : memref<12560x128xf32, #tpu.memory_space<vmem_shared>> -> memref<784x128xf32, #tpu.memory_space<vmem_shared>>
      tpu.wait_dma2 semaphore(%run_scoped3A : memref<!tpu.dma_semaphore, #tpu.memory_space<semaphore_mem>>) src(%dma_wait3A_135 : memref<784x128xf32, #tpu.memory_space<vmem_shared>>) dst(%dma_wait3A_133 : memref<784x128xf32, #tpu.memory_space<hbm>>)
      tpu.yield
    }) : () -> ()
    %barrier3A_61 = arith.constant 0 : index
    tpu.barrier barrier_id(%barrier3A_61)
    %add3A_62 = arith.constant 2 : i32
    %add3A_63 = arith.addi %add3A_62, %arg0 : i32
    %mul3A_64 = arith.constant 12544 : i32
    %mul3A_65 = arith.muli %add3A_63, %mul3A_64 : i32
    %mul3A_66 = arith.constant 784 : i32
    %mul3A_67 = arith.muli %arg1, %mul3A_66 : i32
    "tpu.region"() ({
      %run_scoped3A = tpu.sem_alloc : memref<!tpu.dma_semaphore, #tpu.memory_space<semaphore_mem>>
      %dma_start3A_128 = arith.constant 0 : i32
      %dma_start3A_129 = tpu.memref_slice %arg11[%mul3A_67, %dma_start3A_128] : memref<12560x128xf32, #tpu.memory_space<vmem_shared>> -> memref<784x128xf32, #tpu.memory_space<vmem_shared>>
      tpu.enqueue_dma source(%arg4 : memref<784x128xf32, #tpu.memory_space<hbm>>) target(%dma_start3A_129 : memref<784x128xf32, #tpu.memory_space<vmem_shared>>) target_semaphore(%run_scoped3A : memref<!tpu.dma_semaphore, #tpu.memory_space<semaphore_mem>>)
      %dma_wait3A_130 = arith.constant 0 : i32
      %dma_wait3A_131 = tpu.memref_slice %arg11[%mul3A_67, %dma_wait3A_130] : memref<12560x128xf32, #tpu.memory_space<vmem_shared>> -> memref<784x128xf32, #tpu.memory_space<vmem_shared>>
      tpu.wait_dma2 semaphore(%run_scoped3A : memref<!tpu.dma_semaphore, #tpu.memory_space<semaphore_mem>>) src(%arg4 : memref<784x128xf32, #tpu.memory_space<hbm>>) dst(%dma_wait3A_131 : memref<784x128xf32, #tpu.memory_space<vmem_shared>>)
      tpu.yield
    }) : () -> ()
    %barrier3A_68 = arith.constant 0 : index
    tpu.barrier barrier_id(%barrier3A_68)
    %swap3A_69 = arith.constant 0 : index
    %swap3A_70 = tpu.vector_load %arg7[%swap3A_69] {strides = array<i32>} : memref<112xi32, #tpu.memory_space<vmem>>, vector<16xi32>,
    tpu.vector_store %arg7[%swap3A_69], %broadcast_in_dim3A_1 {strides = array<i32>} : memref<112xi32, #tpu.memory_space<vmem>>, vector<16xi32>,
    %swap3A_71 = arith.constant 16 : index
    %swap3A_72 = tpu.vector_load %arg7[%swap3A_71] {strides = array<i32>} : memref<112xi32, #tpu.memory_space<vmem>>, vector<16xi32>,
    tpu.vector_store %arg7[%swap3A_71], %broadcast_in_dim3A_1 {strides = array<i32>} : memref<112xi32, #tpu.memory_space<vmem>>, vector<16xi32>,
    %swap3A_73 = arith.constant 32 : index
    %swap3A_74 = tpu.vector_load %arg7[%swap3A_73] {strides = array<i32>} : memref<112xi32, #tpu.memory_space<vmem>>, vector<16xi32>,
    tpu.vector_store %arg7[%swap3A_73], %broadcast_in_dim3A_1 {strides = array<i32>} : memref<112xi32, #tpu.memory_space<vmem>>, vector<16xi32>,
    %swap3A_75 = arith.constant 48 : index
    %swap3A_76 = tpu.vector_load %arg7[%swap3A_75] {strides = array<i32>} : memref<112xi32, #tpu.memory_space<vmem>>, vector<16xi32>,
    tpu.vector_store %arg7[%swap3A_75], %broadcast_in_dim3A_1 {strides = array<i32>} : memref<112xi32, #tpu.memory_space<vmem>>, vector<16xi32>,
    %swap3A_77 = arith.constant 64 : index
    %swap3A_78 = tpu.vector_load %arg7[%swap3A_77] {strides = array<i32>} : memref<112xi32, #tpu.memory_space<vmem>>, vector<16xi32>,
    tpu.vector_store %arg7[%swap3A_77], %broadcast_in_dim3A_1 {strides = array<i32>} : memref<112xi32, #tpu.memory_space<vmem>>, vector<16xi32>,
    %swap3A_79 = arith.constant 80 : index
    %swap3A_80 = tpu.vector_load %arg7[%swap3A_79] {strides = array<i32>} : memref<112xi32, #tpu.memory_space<vmem>>, vector<16xi32>,
    tpu.vector_store %arg7[%swap3A_79], %broadcast_in_dim3A_1 {strides = array<i32>} : memref<112xi32, #tpu.memory_space<vmem>>, vector<16xi32>,
    %swap3A_81 = arith.constant 96 : index
    %swap3A_82 = tpu.vector_load %arg7[%swap3A_81] {strides = array<i32>} : memref<112xi32, #tpu.memory_space<vmem>>, vector<16xi32>,
    tpu.vector_store %arg7[%swap3A_81], %broadcast_in_dim3A_1 {strides = array<i32>} : memref<112xi32, #tpu.memory_space<vmem>>, vector<16xi32>,
    %dma_start3A_83 = arith.constant 0 : i32
    %dma_start3A_84 = arith.constant 0 : i32
    %dma_start3A_85 = tpu.memref_slice %arg11[%dma_start3A_83, %dma_start3A_84] : memref<12560x128xf32, #tpu.memory_space<vmem_shared>> -> memref<12560x128xf32, #tpu.memory_space<vmem_shared>>
    tpu.enqueue_indirect_dma source(%arg9 : memref<112x128xf32, #tpu.memory_space<vmem>>) target(%dma_start3A_85 : memref<12560x128xf32, #tpu.memory_space<vmem_shared>>) offsets(%arg7 : memref<112xi32, #tpu.memory_space<vmem>>) semaphore(%arg14 : memref<!tpu.dma_semaphore, #tpu.memory_space<semaphore_mem>>) {add = true}
    %swap3A_86 = arith.constant 0 : index
    %swap3A_87 = tpu.vector_load %arg8[%swap3A_86] {strides = array<i32>} : memref<112xi32, #tpu.memory_space<vmem>>, vector<16xi32>,
    tpu.vector_store %arg8[%swap3A_86], %broadcast_in_dim3A_1 {strides = array<i32>} : memref<112xi32, #tpu.memory_space<vmem>>, vector<16xi32>,
    %swap3A_88 = arith.constant 16 : index
    %swap3A_89 = tpu.vector_load %arg8[%swap3A_88] {strides = array<i32>} : memref<112xi32, #tpu.memory_space<vmem>>, vector<16xi32>,
    tpu.vector_store %arg8[%swap3A_88], %broadcast_in_dim3A_1 {strides = array<i32>} : memref<112xi32, #tpu.memory_space<vmem>>, vector<16xi32>,
    %swap3A_90 = arith.constant 32 : index
    %swap3A_91 = tpu.vector_load %arg8[%swap3A_90] {strides = array<i32>} : memref<112xi32, #tpu.memory_space<vmem>>, vector<16xi32>,
    tpu.vector_store %arg8[%swap3A_90], %broadcast_in_dim3A_1 {strides = array<i32>} : memref<112xi32, #tpu.memory_space<vmem>>, vector<16xi32>,
    %swap3A_92 = arith.constant 48 : index
    %swap3A_93 = tpu.vector_load %arg8[%swap3A_92] {strides = array<i32>} : memref<112xi32, #tpu.memory_space<vmem>>, vector<16xi32>,
    tpu.vector_store %arg8[%swap3A_92], %broadcast_in_dim3A_1 {strides = array<i32>} : memref<112xi32, #tpu.memory_space<vmem>>, vector<16xi32>,
    %swap3A_94 = arith.constant 64 : index
    %swap3A_95 = tpu.vector_load %arg8[%swap3A_94] {strides = array<i32>} : memref<112xi32, #tpu.memory_space<vmem>>, vector<16xi32>,
    tpu.vector_store %arg8[%swap3A_94], %broadcast_in_dim3A_1 {strides = array<i32>} : memref<112xi32, #tpu.memory_space<vmem>>, vector<16xi32>,
    %swap3A_96 = arith.constant 80 : index
    %swap3A_97 = tpu.vector_load %arg8[%swap3A_96] {strides = array<i32>} : memref<112xi32, #tpu.memory_space<vmem>>, vector<16xi32>,
    tpu.vector_store %arg8[%swap3A_96], %broadcast_in_dim3A_1 {strides = array<i32>} : memref<112xi32, #tpu.memory_space<vmem>>, vector<16xi32>,
    %swap3A_98 = arith.constant 96 : index
    %swap3A_99 = tpu.vector_load %arg8[%swap3A_98] {strides = array<i32>} : memref<112xi32, #tpu.memory_space<vmem>>, vector<16xi32>,
    tpu.vector_store %arg8[%swap3A_98], %broadcast_in_dim3A_1 {strides = array<i32>} : memref<112xi32, #tpu.memory_space<vmem>>, vector<16xi32>,
    %dma_start3A_100 = arith.constant 0 : i32
    %dma_start3A_101 = arith.constant 0 : i32
    %dma_start3A_102 = tpu.memref_slice %arg11[%dma_start3A_100, %dma_start3A_101] : memref<12560x128xf32, #tpu.memory_space<vmem_shared>> -> memref<12560x128xf32, #tpu.memory_space<vmem_shared>>
    tpu.enqueue_indirect_dma source(%arg10 : memref<112x128xf32, #tpu.memory_space<vmem>>) target(%dma_start3A_102 : memref<12560x128xf32, #tpu.memory_space<vmem_shared>>) offsets(%arg8 : memref<112xi32, #tpu.memory_space<vmem>>) semaphore(%arg15 : memref<!tpu.dma_semaphore, #tpu.memory_space<semaphore_mem>>) {add = true}
    %scan3A_103 = arith.constant 0 : i32
    %scan3A_104 = arith.constant 0 : i32
    %scan3A_105 = arith.constant 25 : i32
    %scan3A_106 = arith.addi %scan3A_104, %scan3A_105 : i32
    %scan3A_107 = arith.constant 1 : i32
    scf.for %scan3A_128 = %scan3A_104 to %scan3A_106 step %scan3A_107  : i32 {
      %mul3A_129 = arith.constant 1568 : i32
      %mul3A_130 = arith.muli %scan3A_128, %mul3A_129 : i32
      %add3A_131 = arith.addi %mul3A_0, %mul3A_130 : i32
      "tpu.region"() ({
        %run_scoped3A = tpu.sem_alloc : memref<!tpu.dma_semaphore, #tpu.memory_space<semaphore_mem>>
        %dma_start3A_137 = tpu.memref_slice %arg3[%add3A_131] : memref<627200xi32, #tpu.memory_space<hbm>> -> memref<1568xi32, #tpu.memory_space<hbm>>
        %dma_start3A_138 = tpu.memref_slice %arg3[%add3A_131] : memref<627200xi32, #tpu.memory_space<hbm>> -> memref<1568xi32, #tpu.memory_space<hbm>>
        tpu.enqueue_dma source(%dma_start3A_138 : memref<1568xi32, #tpu.memory_space<hbm>>) target(%arg6 : memref<1568xi32, #tpu.memory_space<vmem>>) target_semaphore(%run_scoped3A : memref<!tpu.dma_semaphore, #tpu.memory_space<semaphore_mem>>)
        %dma_wait3A_139 = tpu.memref_slice %arg3[%add3A_131] : memref<627200xi32, #tpu.memory_space<hbm>> -> memref<1568xi32, #tpu.memory_space<hbm>>
        %dma_wait3A_140 = tpu.memref_slice %arg3[%add3A_131] : memref<627200xi32, #tpu.memory_space<hbm>> -> memref<1568xi32, #tpu.memory_space<hbm>>
        tpu.wait_dma2 semaphore(%run_scoped3A : memref<!tpu.dma_semaphore, #tpu.memory_space<semaphore_mem>>) src(%dma_wait3A_140 : memref<1568xi32, #tpu.memory_space<hbm>>) dst(%arg6 : memref<1568xi32, #tpu.memory_space<vmem>>)
        tpu.yield
      }) : () -> ()
      %scan3A_132 = arith.constant 0 : i32
      %scan3A_133 = arith.constant 7 : i32
      %scan3A_134 = arith.addi %scan3A_132, %scan3A_133 : i32
      %scan3A_135 = arith.constant 1 : i32
      scf.for %scan3A_137 = %scan3A_132 to %scan3A_134 step %scan3A_135  : i32 {
        %mul3A_138 = arith.constant 2 : i32
        %mul3A_139 = arith.muli %scan3A_137, %mul3A_138 : i32
        %mul3A_140 = arith.constant 112 : i32
        %mul3A_141 = arith.muli %mul3A_139, %mul3A_140 : i32
        %add3A_142 = arith.constant 0 : i32
        %add3A_143 = arith.addi %mul3A_141, %add3A_142 : i32
        %dma_wait3A_144 = arith.constant 0 : i32
        %dma_wait3A_145 = arith.constant 0 : i32
        %dma_wait3A_146 = tpu.memref_slice %arg2[%dma_wait3A_144, %dma_wait3A_145] : memref<627200x128xf32, #tpu.memory_space<hbm>> -> memref<112x128xf32, #tpu.memory_space<hbm>>
        %dma_wait3A_147 = arith.constant 0 : i32
        %dma_wait3A_148 = arith.constant 0 : i32
        %dma_wait3A_149 = tpu.memref_slice %arg2[%dma_wait3A_147, %dma_wait3A_148] : memref<627200x128xf32, #tpu.memory_space<hbm>> -> memref<112x128xf32, #tpu.memory_space<hbm>>
        tpu.wait_dma2 semaphore(%arg14 : memref<!tpu.dma_semaphore, #tpu.memory_space<semaphore_mem>>) src(%dma_wait3A_149 : memref<112x128xf32, #tpu.memory_space<hbm>>) dst(%arg9 : memref<112x128xf32, #tpu.memory_space<vmem>>)
        %add3A_150 = arith.addi %add3A_131, %add3A_143 : i32
        %dma_start3A_151 = arith.constant 0 : i32
        %dma_start3A_152 = tpu.memref_slice %arg2[%add3A_150, %dma_start3A_151] : memref<627200x128xf32, #tpu.memory_space<hbm>> -> memref<112x128xf32, #tpu.memory_space<hbm>>
        %dma_start3A_153 = arith.constant 0 : i32
        %dma_start3A_154 = tpu.memref_slice %arg2[%add3A_150, %dma_start3A_153] : memref<627200x128xf32, #tpu.memory_space<hbm>> -> memref<112x128xf32, #tpu.memory_space<hbm>>
        tpu.enqueue_dma source(%dma_start3A_154 : memref<112x128xf32, #tpu.memory_space<hbm>>) target(%arg9 : memref<112x128xf32, #tpu.memory_space<vmem>>) target_semaphore(%arg12 : memref<!tpu.dma_semaphore, #tpu.memory_space<semaphore_mem>>)
        %add3A_155 = arith.constant 0 : i32
        %add3A_156 = arith.addi %add3A_143, %add3A_155 : i32
        %get3A = arith.index_cast %add3A_156 : i32 to index
        %get3A_157 = tpu.vector_load %arg6[%get3A] {strides = array<i32>} : memref<1568xi32, #tpu.memory_space<vmem>>, vector<16xi32>,
        %ge3A = vector.broadcast %mul3A_65 : i32 to vector<16xi32>
        %ge3A_158 = arith.cmpi sge, %get3A_157, %ge3A : vector<16xi32>
        %add3A_159 = arith.constant 12544 : i32
        %add3A_160 = arith.addi %mul3A_65, %add3A_159 : i32
        %lt3A = vector.broadcast %add3A_160 : i32 to vector<16xi32>
        %lt3A_161 = arith.cmpi slt, %get3A_157, %lt3A : vector<16xi32>
        %and3A = arith.andi %ge3A_158, %lt3A_161 : vector<16xi1>
        %sub3A = vector.broadcast %mul3A_65 : i32 to vector<16xi32>
        %sub3A_162 = arith.subi %get3A_157, %sub3A : vector<16xi32>
        %jit3A = arith.constant 12544 : i32
        %broadcast_in_dim3A_163 = vector.broadcast %jit3A : i32 to vector<16xi32>
        %select_n3A = arith.select %and3A, %sub3A_162, %broadcast_in_dim3A_163 : vector<16xi1>, vector<16xi32>
        %swap3A_164 = arith.constant 0 : index
        %swap3A_165 = tpu.vector_load %arg7[%swap3A_164] {strides = array<i32>} : memref<112xi32, #tpu.memory_space<vmem>>, vector<16xi32>,
        tpu.vector_store %arg7[%swap3A_164], %select_n3A {strides = array<i32>} : memref<112xi32, #tpu.memory_space<vmem>>, vector<16xi32>,
        %add3A_166 = arith.constant 16 : i32
        %add3A_167 = arith.addi %add3A_143, %add3A_166 : i32
        %get3A_168 = arith.index_cast %add3A_167 : i32 to index
        %get3A_169 = tpu.vector_load %arg6[%get3A_168] {strides = array<i32>} : memref<1568xi32, #tpu.memory_space<vmem>>, vector<16xi32>,
        %ge3A_170 = vector.broadcast %mul3A_65 : i32 to vector<16xi32>
        %ge3A_171 = arith.cmpi sge, %get3A_169, %ge3A_170 : vector<16xi32>
        %add3A_172 = arith.constant 12544 : i32
        %add3A_173 = arith.addi %mul3A_65, %add3A_172 : i32
        %lt3A_174 = vector.broadcast %add3A_173 : i32 to vector<16xi32>
        %lt3A_175 = arith.cmpi slt, %get3A_169, %lt3A_174 : vector<16xi32>
        %and3A_176 = arith.andi %ge3A_171, %lt3A_175 : vector<16xi1>
        %sub3A_177 = vector.broadcast %mul3A_65 : i32 to vector<16xi32>
        %sub3A_178 = arith.subi %get3A_169, %sub3A_177 : vector<16xi32>
        %jit3A_179 = arith.constant 12544 : i32
        %broadcast_in_dim3A_180 = vector.broadcast %jit3A_179 : i32 to vector<16xi32>
        %select_n3A_181 = arith.select %and3A_176, %sub3A_178, %broadcast_in_dim3A_180 : vector<16xi1>, vector<16xi32>
        %swap3A_182 = arith.constant 16 : index
        %swap3A_183 = tpu.vector_load %arg7[%swap3A_182] {strides = array<i32>} : memref<112xi32, #tpu.memory_space<vmem>>, vector<16xi32>,
        tpu.vector_store %arg7[%swap3A_182], %select_n3A_181 {strides = array<i32>} : memref<112xi32, #tpu.memory_space<vmem>>, vector<16xi32>,
        %add3A_184 = arith.constant 32 : i32
        %add3A_185 = arith.addi %add3A_143, %add3A_184 : i32
        %get3A_186 = arith.index_cast %add3A_185 : i32 to index
        %get3A_187 = tpu.vector_load %arg6[%get3A_186] {strides = array<i32>} : memref<1568xi32, #tpu.memory_space<vmem>>, vector<16xi32>,
        %ge3A_188 = vector.broadcast %mul3A_65 : i32 to vector<16xi32>
        %ge3A_189 = arith.cmpi sge, %get3A_187, %ge3A_188 : vector<16xi32>
        %add3A_190 = arith.constant 12544 : i32
        %add3A_191 = arith.addi %mul3A_65, %add3A_190 : i32
        %lt3A_192 = vector.broadcast %add3A_191 : i32 to vector<16xi32>
        %lt3A_193 = arith.cmpi slt, %get3A_187, %lt3A_192 : vector<16xi32>
        %and3A_194 = arith.andi %ge3A_189, %lt3A_193 : vector<16xi1>
        %sub3A_195 = vector.broadcast %mul3A_65 : i32 to vector<16xi32>
        %sub3A_196 = arith.subi %get3A_187, %sub3A_195 : vector<16xi32>
        %jit3A_197 = arith.constant 12544 : i32
        %broadcast_in_dim3A_198 = vector.broadcast %jit3A_197 : i32 to vector<16xi32>
        %select_n3A_199 = arith.select %and3A_194, %sub3A_196, %broadcast_in_dim3A_198 : vector<16xi1>, vector<16xi32>
        %swap3A_200 = arith.constant 32 : index
        %swap3A_201 = tpu.vector_load %arg7[%swap3A_200] {strides = array<i32>} : memref<112xi32, #tpu.memory_space<vmem>>, vector<16xi32>,
        tpu.vector_store %arg7[%swap3A_200], %select_n3A_199 {strides = array<i32>} : memref<112xi32, #tpu.memory_space<vmem>>, vector<16xi32>,
        %add3A_202 = arith.constant 48 : i32
        %add3A_203 = arith.addi %add3A_143, %add3A_202 : i32
        %get3A_204 = arith.index_cast %add3A_203 : i32 to index
        %get3A_205 = tpu.vector_load %arg6[%get3A_204] {strides = array<i32>} : memref<1568xi32, #tpu.memory_space<vmem>>, vector<16xi32>,
        %ge3A_206 = vector.broadcast %mul3A_65 : i32 to vector<16xi32>
        %ge3A_207 = arith.cmpi sge, %get3A_205, %ge3A_206 : vector<16xi32>
        %add3A_208 = arith.constant 12544 : i32
        %add3A_209 = arith.addi %mul3A_65, %add3A_208 : i32
        %lt3A_210 = vector.broadcast %add3A_209 : i32 to vector<16xi32>
        %lt3A_211 = arith.cmpi slt, %get3A_205, %lt3A_210 : vector<16xi32>
        %and3A_212 = arith.andi %ge3A_207, %lt3A_211 : vector<16xi1>
        %sub3A_213 = vector.broadcast %mul3A_65 : i32 to vector<16xi32>
        %sub3A_214 = arith.subi %get3A_205, %sub3A_213 : vector<16xi32>
        %jit3A_215 = arith.constant 12544 : i32
        %broadcast_in_dim3A_216 = vector.broadcast %jit3A_215 : i32 to vector<16xi32>
        %select_n3A_217 = arith.select %and3A_212, %sub3A_214, %broadcast_in_dim3A_216 : vector<16xi1>, vector<16xi32>
        %swap3A_218 = arith.constant 48 : index
        %swap3A_219 = tpu.vector_load %arg7[%swap3A_218] {strides = array<i32>} : memref<112xi32, #tpu.memory_space<vmem>>, vector<16xi32>,
        tpu.vector_store %arg7[%swap3A_218], %select_n3A_217 {strides = array<i32>} : memref<112xi32, #tpu.memory_space<vmem>>, vector<16xi32>,
        %add3A_220 = arith.constant 64 : i32
        %add3A_221 = arith.addi %add3A_143, %add3A_220 : i32
        %get3A_222 = arith.index_cast %add3A_221 : i32 to index
        %get3A_223 = tpu.vector_load %arg6[%get3A_222] {strides = array<i32>} : memref<1568xi32, #tpu.memory_space<vmem>>, vector<16xi32>,
        %ge3A_224 = vector.broadcast %mul3A_65 : i32 to vector<16xi32>
        %ge3A_225 = arith.cmpi sge, %get3A_223, %ge3A_224 : vector<16xi32>
        %add3A_226 = arith.constant 12544 : i32
        %add3A_227 = arith.addi %mul3A_65, %add3A_226 : i32
        %lt3A_228 = vector.broadcast %add3A_227 : i32 to vector<16xi32>
        %lt3A_229 = arith.cmpi slt, %get3A_223, %lt3A_228 : vector<16xi32>
        %and3A_230 = arith.andi %ge3A_225, %lt3A_229 : vector<16xi1>
        %sub3A_231 = vector.broadcast %mul3A_65 : i32 to vector<16xi32>
        %sub3A_232 = arith.subi %get3A_223, %sub3A_231 : vector<16xi32>
        %jit3A_233 = arith.constant 12544 : i32
        %broadcast_in_dim3A_234 = vector.broadcast %jit3A_233 : i32 to vector<16xi32>
        %select_n3A_235 = arith.select %and3A_230, %sub3A_232, %broadcast_in_dim3A_234 : vector<16xi1>, vector<16xi32>
        %swap3A_236 = arith.constant 64 : index
        %swap3A_237 = tpu.vector_load %arg7[%swap3A_236] {strides = array<i32>} : memref<112xi32, #tpu.memory_space<vmem>>, vector<16xi32>,
        tpu.vector_store %arg7[%swap3A_236], %select_n3A_235 {strides = array<i32>} : memref<112xi32, #tpu.memory_space<vmem>>, vector<16xi32>,
        %add3A_238 = arith.constant 80 : i32
        %add3A_239 = arith.addi %add3A_143, %add3A_238 : i32
        %get3A_240 = arith.index_cast %add3A_239 : i32 to index
        %get3A_241 = tpu.vector_load %arg6[%get3A_240] {strides = array<i32>} : memref<1568xi32, #tpu.memory_space<vmem>>, vector<16xi32>,
        %ge3A_242 = vector.broadcast %mul3A_65 : i32 to vector<16xi32>
        %ge3A_243 = arith.cmpi sge, %get3A_241, %ge3A_242 : vector<16xi32>
        %add3A_244 = arith.constant 12544 : i32
        %add3A_245 = arith.addi %mul3A_65, %add3A_244 : i32
        %lt3A_246 = vector.broadcast %add3A_245 : i32 to vector<16xi32>
        %lt3A_247 = arith.cmpi slt, %get3A_241, %lt3A_246 : vector<16xi32>
        %and3A_248 = arith.andi %ge3A_243, %lt3A_247 : vector<16xi1>
        %sub3A_249 = vector.broadcast %mul3A_65 : i32 to vector<16xi32>
        %sub3A_250 = arith.subi %get3A_241, %sub3A_249 : vector<16xi32>
        %jit3A_251 = arith.constant 12544 : i32
        %broadcast_in_dim3A_252 = vector.broadcast %jit3A_251 : i32 to vector<16xi32>
        %select_n3A_253 = arith.select %and3A_248, %sub3A_250, %broadcast_in_dim3A_252 : vector<16xi1>, vector<16xi32>
        %swap3A_254 = arith.constant 80 : index
        %swap3A_255 = tpu.vector_load %arg7[%swap3A_254] {strides = array<i32>} : memref<112xi32, #tpu.memory_space<vmem>>, vector<16xi32>,
        tpu.vector_store %arg7[%swap3A_254], %select_n3A_253 {strides = array<i32>} : memref<112xi32, #tpu.memory_space<vmem>>, vector<16xi32>,
        %add3A_256 = arith.constant 96 : i32
        %add3A_257 = arith.addi %add3A_143, %add3A_256 : i32
        %get3A_258 = arith.index_cast %add3A_257 : i32 to index
        %get3A_259 = tpu.vector_load %arg6[%get3A_258] {strides = array<i32>} : memref<1568xi32, #tpu.memory_space<vmem>>, vector<16xi32>,
        %ge3A_260 = vector.broadcast %mul3A_65 : i32 to vector<16xi32>
        %ge3A_261 = arith.cmpi sge, %get3A_259, %ge3A_260 : vector<16xi32>
        %add3A_262 = arith.constant 12544 : i32
        %add3A_263 = arith.addi %mul3A_65, %add3A_262 : i32
        %lt3A_264 = vector.broadcast %add3A_263 : i32 to vector<16xi32>
        %lt3A_265 = arith.cmpi slt, %get3A_259, %lt3A_264 : vector<16xi32>
        %and3A_266 = arith.andi %ge3A_261, %lt3A_265 : vector<16xi1>
        %sub3A_267 = vector.broadcast %mul3A_65 : i32 to vector<16xi32>
        %sub3A_268 = arith.subi %get3A_259, %sub3A_267 : vector<16xi32>
        %jit3A_269 = arith.constant 12544 : i32
        %broadcast_in_dim3A_270 = vector.broadcast %jit3A_269 : i32 to vector<16xi32>
        %select_n3A_271 = arith.select %and3A_266, %sub3A_268, %broadcast_in_dim3A_270 : vector<16xi1>, vector<16xi32>
        %swap3A_272 = arith.constant 96 : index
        %swap3A_273 = tpu.vector_load %arg7[%swap3A_272] {strides = array<i32>} : memref<112xi32, #tpu.memory_space<vmem>>, vector<16xi32>,
        tpu.vector_store %arg7[%swap3A_272], %select_n3A_271 {strides = array<i32>} : memref<112xi32, #tpu.memory_space<vmem>>, vector<16xi32>,
        %dma_wait3A_274 = arith.constant 0 : i32
        %dma_wait3A_275 = tpu.memref_slice %arg2[%add3A_150, %dma_wait3A_274] : memref<627200x128xf32, #tpu.memory_space<hbm>> -> memref<112x128xf32, #tpu.memory_space<hbm>>
        %dma_wait3A_276 = arith.constant 0 : i32
        %dma_wait3A_277 = tpu.memref_slice %arg2[%add3A_150, %dma_wait3A_276] : memref<627200x128xf32, #tpu.memory_space<hbm>> -> memref<112x128xf32, #tpu.memory_space<hbm>>
        tpu.wait_dma2 semaphore(%arg12 : memref<!tpu.dma_semaphore, #tpu.memory_space<semaphore_mem>>) src(%dma_wait3A_277 : memref<112x128xf32, #tpu.memory_space<hbm>>) dst(%arg9 : memref<112x128xf32, #tpu.memory_space<vmem>>)
        %dma_start3A_278 = arith.constant 0 : i32
        %dma_start3A_279 = arith.constant 0 : i32
        %dma_start3A_280 = tpu.memref_slice %arg11[%dma_start3A_278, %dma_start3A_279] : memref<12560x128xf32, #tpu.memory_space<vmem_shared>> -> memref<12560x128xf32, #tpu.memory_space<vmem_shared>>
        tpu.enqueue_indirect_dma source(%arg9 : memref<112x128xf32, #tpu.memory_space<vmem>>) target(%dma_start3A_280 : memref<12560x128xf32, #tpu.memory_space<vmem_shared>>) offsets(%arg7 : memref<112xi32, #tpu.memory_space<vmem>>) semaphore(%arg14 : memref<!tpu.dma_semaphore, #tpu.memory_space<semaphore_mem>>) {add = true}
        %mul3A_281 = arith.constant 2 : i32
        %mul3A_282 = arith.muli %scan3A_137, %mul3A_281 : i32
        %mul3A_283 = arith.constant 112 : i32
        %mul3A_284 = arith.muli %mul3A_282, %mul3A_283 : i32
        %add3A_285 = arith.constant 112 : i32
        %add3A_286 = arith.addi %mul3A_284, %add3A_285 : i32
        %dma_wait3A_287 = arith.constant 0 : i32
        %dma_wait3A_288 = arith.constant 0 : i32
        %dma_wait3A_289 = tpu.memref_slice %arg2[%dma_wait3A_287, %dma_wait3A_288] : memref<627200x128xf32, #tpu.memory_space<hbm>> -> memref<112x128xf32, #tpu.memory_space<hbm>>
        %dma_wait3A_290 = arith.constant 0 : i32
        %dma_wait3A_291 = arith.constant 0 : i32
        %dma_wait3A_292 = tpu.memref_slice %arg2[%dma_wait3A_290, %dma_wait3A_291] : memref<627200x128xf32, #tpu.memory_space<hbm>> -> memref<112x128xf32, #tpu.memory_space<hbm>>
        tpu.wait_dma2 semaphore(%arg15 : memref<!tpu.dma_semaphore, #tpu.memory_space<semaphore_mem>>) src(%dma_wait3A_292 : memref<112x128xf32, #tpu.memory_space<hbm>>) dst(%arg10 : memref<112x128xf32, #tpu.memory_space<vmem>>)
        %add3A_293 = arith.addi %add3A_131, %add3A_286 : i32
        %dma_start3A_294 = arith.constant 0 : i32
        %dma_start3A_295 = tpu.memref_slice %arg2[%add3A_293, %dma_start3A_294] : memref<627200x128xf32, #tpu.memory_space<hbm>> -> memref<112x128xf32, #tpu.memory_space<hbm>>
        %dma_start3A_296 = arith.constant 0 : i32
        %dma_start3A_297 = tpu.memref_slice %arg2[%add3A_293, %dma_start3A_296] : memref<627200x128xf32, #tpu.memory_space<hbm>> -> memref<112x128xf32, #tpu.memory_space<hbm>>
        tpu.enqueue_dma source(%dma_start3A_297 : memref<112x128xf32, #tpu.memory_space<hbm>>) target(%arg10 : memref<112x128xf32, #tpu.memory_space<vmem>>) target_semaphore(%arg13 : memref<!tpu.dma_semaphore, #tpu.memory_space<semaphore_mem>>)
        %add3A_298 = arith.constant 0 : i32
        %add3A_299 = arith.addi %add3A_286, %add3A_298 : i32
        %get3A_300 = arith.index_cast %add3A_299 : i32 to index
        %get3A_301 = tpu.vector_load %arg6[%get3A_300] {strides = array<i32>} : memref<1568xi32, #tpu.memory_space<vmem>>, vector<16xi32>,
        %ge3A_302 = vector.broadcast %mul3A_65 : i32 to vector<16xi32>
        %ge3A_303 = arith.cmpi sge, %get3A_301, %ge3A_302 : vector<16xi32>
        %add3A_304 = arith.constant 12544 : i32
        %add3A_305 = arith.addi %mul3A_65, %add3A_304 : i32
        %lt3A_306 = vector.broadcast %add3A_305 : i32 to vector<16xi32>
        %lt3A_307 = arith.cmpi slt, %get3A_301, %lt3A_306 : vector<16xi32>
        %and3A_308 = arith.andi %ge3A_303, %lt3A_307 : vector<16xi1>
        %sub3A_309 = vector.broadcast %mul3A_65 : i32 to vector<16xi32>
        %sub3A_310 = arith.subi %get3A_301, %sub3A_309 : vector<16xi32>
        %jit3A_311 = arith.constant 12544 : i32
        %broadcast_in_dim3A_312 = vector.broadcast %jit3A_311 : i32 to vector<16xi32>
        %select_n3A_313 = arith.select %and3A_308, %sub3A_310, %broadcast_in_dim3A_312 : vector<16xi1>, vector<16xi32>
        %swap3A_314 = arith.constant 0 : index
        %swap3A_315 = tpu.vector_load %arg8[%swap3A_314] {strides = array<i32>} : memref<112xi32, #tpu.memory_space<vmem>>, vector<16xi32>,
        tpu.vector_store %arg8[%swap3A_314], %select_n3A_313 {strides = array<i32>} : memref<112xi32, #tpu.memory_space<vmem>>, vector<16xi32>,
        %add3A_316 = arith.constant 16 : i32
        %add3A_317 = arith.addi %add3A_286, %add3A_316 : i32
        %get3A_318 = arith.index_cast %add3A_317 : i32 to index
        %get3A_319 = tpu.vector_load %arg6[%get3A_318] {strides = array<i32>} : memref<1568xi32, #tpu.memory_space<vmem>>, vector<16xi32>,
        %ge3A_320 = vector.broadcast %mul3A_65 : i32 to vector<16xi32>
        %ge3A_321 = arith.cmpi sge, %get3A_319, %ge3A_320 : vector<16xi32>
        %add3A_322 = arith.constant 12544 : i32
        %add3A_323 = arith.addi %mul3A_65, %add3A_322 : i32
        %lt3A_324 = vector.broadcast %add3A_323 : i32 to vector<16xi32>
        %lt3A_325 = arith.cmpi slt, %get3A_319, %lt3A_324 : vector<16xi32>
        %and3A_326 = arith.andi %ge3A_321, %lt3A_325 : vector<16xi1>
        %sub3A_327 = vector.broadcast %mul3A_65 : i32 to vector<16xi32>
        %sub3A_328 = arith.subi %get3A_319, %sub3A_327 : vector<16xi32>
        %jit3A_329 = arith.constant 12544 : i32
        %broadcast_in_dim3A_330 = vector.broadcast %jit3A_329 : i32 to vector<16xi32>
        %select_n3A_331 = arith.select %and3A_326, %sub3A_328, %broadcast_in_dim3A_330 : vector<16xi1>, vector<16xi32>
        %swap3A_332 = arith.constant 16 : index
        %swap3A_333 = tpu.vector_load %arg8[%swap3A_332] {strides = array<i32>} : memref<112xi32, #tpu.memory_space<vmem>>, vector<16xi32>,
        tpu.vector_store %arg8[%swap3A_332], %select_n3A_331 {strides = array<i32>} : memref<112xi32, #tpu.memory_space<vmem>>, vector<16xi32>,
        %add3A_334 = arith.constant 32 : i32
        %add3A_335 = arith.addi %add3A_286, %add3A_334 : i32
        %get3A_336 = arith.index_cast %add3A_335 : i32 to index
        %get3A_337 = tpu.vector_load %arg6[%get3A_336] {strides = array<i32>} : memref<1568xi32, #tpu.memory_space<vmem>>, vector<16xi32>,
        %ge3A_338 = vector.broadcast %mul3A_65 : i32 to vector<16xi32>
        %ge3A_339 = arith.cmpi sge, %get3A_337, %ge3A_338 : vector<16xi32>
        %add3A_340 = arith.constant 12544 : i32
        %add3A_341 = arith.addi %mul3A_65, %add3A_340 : i32
        %lt3A_342 = vector.broadcast %add3A_341 : i32 to vector<16xi32>
        %lt3A_343 = arith.cmpi slt, %get3A_337, %lt3A_342 : vector<16xi32>
        %and3A_344 = arith.andi %ge3A_339, %lt3A_343 : vector<16xi1>
        %sub3A_345 = vector.broadcast %mul3A_65 : i32 to vector<16xi32>
        %sub3A_346 = arith.subi %get3A_337, %sub3A_345 : vector<16xi32>
        %jit3A_347 = arith.constant 12544 : i32
        %broadcast_in_dim3A_348 = vector.broadcast %jit3A_347 : i32 to vector<16xi32>
        %select_n3A_349 = arith.select %and3A_344, %sub3A_346, %broadcast_in_dim3A_348 : vector<16xi1>, vector<16xi32>
        %swap3A_350 = arith.constant 32 : index
        %swap3A_351 = tpu.vector_load %arg8[%swap3A_350] {strides = array<i32>} : memref<112xi32, #tpu.memory_space<vmem>>, vector<16xi32>,
        tpu.vector_store %arg8[%swap3A_350], %select_n3A_349 {strides = array<i32>} : memref<112xi32, #tpu.memory_space<vmem>>, vector<16xi32>,
        %add3A_352 = arith.constant 48 : i32
        %add3A_353 = arith.addi %add3A_286, %add3A_352 : i32
        %get3A_354 = arith.index_cast %add3A_353 : i32 to index
        %get3A_355 = tpu.vector_load %arg6[%get3A_354] {strides = array<i32>} : memref<1568xi32, #tpu.memory_space<vmem>>, vector<16xi32>,
        %ge3A_356 = vector.broadcast %mul3A_65 : i32 to vector<16xi32>
        %ge3A_357 = arith.cmpi sge, %get3A_355, %ge3A_356 : vector<16xi32>
        %add3A_358 = arith.constant 12544 : i32
        %add3A_359 = arith.addi %mul3A_65, %add3A_358 : i32
        %lt3A_360 = vector.broadcast %add3A_359 : i32 to vector<16xi32>
        %lt3A_361 = arith.cmpi slt, %get3A_355, %lt3A_360 : vector<16xi32>
        %and3A_362 = arith.andi %ge3A_357, %lt3A_361 : vector<16xi1>
        %sub3A_363 = vector.broadcast %mul3A_65 : i32 to vector<16xi32>
        %sub3A_364 = arith.subi %get3A_355, %sub3A_363 : vector<16xi32>
        %jit3A_365 = arith.constant 12544 : i32
        %broadcast_in_dim3A_366 = vector.broadcast %jit3A_365 : i32 to vector<16xi32>
        %select_n3A_367 = arith.select %and3A_362, %sub3A_364, %broadcast_in_dim3A_366 : vector<16xi1>, vector<16xi32>
        %swap3A_368 = arith.constant 48 : index
        %swap3A_369 = tpu.vector_load %arg8[%swap3A_368] {strides = array<i32>} : memref<112xi32, #tpu.memory_space<vmem>>, vector<16xi32>,
        tpu.vector_store %arg8[%swap3A_368], %select_n3A_367 {strides = array<i32>} : memref<112xi32, #tpu.memory_space<vmem>>, vector<16xi32>,
        %add3A_370 = arith.constant 64 : i32
        %add3A_371 = arith.addi %add3A_286, %add3A_370 : i32
        %get3A_372 = arith.index_cast %add3A_371 : i32 to index
        %get3A_373 = tpu.vector_load %arg6[%get3A_372] {strides = array<i32>} : memref<1568xi32, #tpu.memory_space<vmem>>, vector<16xi32>,
        %ge3A_374 = vector.broadcast %mul3A_65 : i32 to vector<16xi32>
        %ge3A_375 = arith.cmpi sge, %get3A_373, %ge3A_374 : vector<16xi32>
        %add3A_376 = arith.constant 12544 : i32
        %add3A_377 = arith.addi %mul3A_65, %add3A_376 : i32
        %lt3A_378 = vector.broadcast %add3A_377 : i32 to vector<16xi32>
        %lt3A_379 = arith.cmpi slt, %get3A_373, %lt3A_378 : vector<16xi32>
        %and3A_380 = arith.andi %ge3A_375, %lt3A_379 : vector<16xi1>
        %sub3A_381 = vector.broadcast %mul3A_65 : i32 to vector<16xi32>
        %sub3A_382 = arith.subi %get3A_373, %sub3A_381 : vector<16xi32>
        %jit3A_383 = arith.constant 12544 : i32
        %broadcast_in_dim3A_384 = vector.broadcast %jit3A_383 : i32 to vector<16xi32>
        %select_n3A_385 = arith.select %and3A_380, %sub3A_382, %broadcast_in_dim3A_384 : vector<16xi1>, vector<16xi32>
        %swap3A_386 = arith.constant 64 : index
        %swap3A_387 = tpu.vector_load %arg8[%swap3A_386] {strides = array<i32>} : memref<112xi32, #tpu.memory_space<vmem>>, vector<16xi32>,
        tpu.vector_store %arg8[%swap3A_386], %select_n3A_385 {strides = array<i32>} : memref<112xi32, #tpu.memory_space<vmem>>, vector<16xi32>,
        %add3A_388 = arith.constant 80 : i32
        %add3A_389 = arith.addi %add3A_286, %add3A_388 : i32
        %get3A_390 = arith.index_cast %add3A_389 : i32 to index
        %get3A_391 = tpu.vector_load %arg6[%get3A_390] {strides = array<i32>} : memref<1568xi32, #tpu.memory_space<vmem>>, vector<16xi32>,
        %ge3A_392 = vector.broadcast %mul3A_65 : i32 to vector<16xi32>
        %ge3A_393 = arith.cmpi sge, %get3A_391, %ge3A_392 : vector<16xi32>
        %add3A_394 = arith.constant 12544 : i32
        %add3A_395 = arith.addi %mul3A_65, %add3A_394 : i32
        %lt3A_396 = vector.broadcast %add3A_395 : i32 to vector<16xi32>
        %lt3A_397 = arith.cmpi slt, %get3A_391, %lt3A_396 : vector<16xi32>
        %and3A_398 = arith.andi %ge3A_393, %lt3A_397 : vector<16xi1>
        %sub3A_399 = vector.broadcast %mul3A_65 : i32 to vector<16xi32>
        %sub3A_400 = arith.subi %get3A_391, %sub3A_399 : vector<16xi32>
        %jit3A_401 = arith.constant 12544 : i32
        %broadcast_in_dim3A_402 = vector.broadcast %jit3A_401 : i32 to vector<16xi32>
        %select_n3A_403 = arith.select %and3A_398, %sub3A_400, %broadcast_in_dim3A_402 : vector<16xi1>, vector<16xi32>
        %swap3A_404 = arith.constant 80 : index
        %swap3A_405 = tpu.vector_load %arg8[%swap3A_404] {strides = array<i32>} : memref<112xi32, #tpu.memory_space<vmem>>, vector<16xi32>,
        tpu.vector_store %arg8[%swap3A_404], %select_n3A_403 {strides = array<i32>} : memref<112xi32, #tpu.memory_space<vmem>>, vector<16xi32>,
        %add3A_406 = arith.constant 96 : i32
        %add3A_407 = arith.addi %add3A_286, %add3A_406 : i32
        %get3A_408 = arith.index_cast %add3A_407 : i32 to index
        %get3A_409 = tpu.vector_load %arg6[%get3A_408] {strides = array<i32>} : memref<1568xi32, #tpu.memory_space<vmem>>, vector<16xi32>,
        %ge3A_410 = vector.broadcast %mul3A_65 : i32 to vector<16xi32>
        %ge3A_411 = arith.cmpi sge, %get3A_409, %ge3A_410 : vector<16xi32>
        %add3A_412 = arith.constant 12544 : i32
        %add3A_413 = arith.addi %mul3A_65, %add3A_412 : i32
        %lt3A_414 = vector.broadcast %add3A_413 : i32 to vector<16xi32>
        %lt3A_415 = arith.cmpi slt, %get3A_409, %lt3A_414 : vector<16xi32>
        %and3A_416 = arith.andi %ge3A_411, %lt3A_415 : vector<16xi1>
        %sub3A_417 = vector.broadcast %mul3A_65 : i32 to vector<16xi32>
        %sub3A_418 = arith.subi %get3A_409, %sub3A_417 : vector<16xi32>
        %jit3A_419 = arith.constant 12544 : i32
        %broadcast_in_dim3A_420 = vector.broadcast %jit3A_419 : i32 to vector<16xi32>
        %select_n3A_421 = arith.select %and3A_416, %sub3A_418, %broadcast_in_dim3A_420 : vector<16xi1>, vector<16xi32>
        %swap3A_422 = arith.constant 96 : index
        %swap3A_423 = tpu.vector_load %arg8[%swap3A_422] {strides = array<i32>} : memref<112xi32, #tpu.memory_space<vmem>>, vector<16xi32>,
        tpu.vector_store %arg8[%swap3A_422], %select_n3A_421 {strides = array<i32>} : memref<112xi32, #tpu.memory_space<vmem>>, vector<16xi32>,
        %dma_wait3A_424 = arith.constant 0 : i32
        %dma_wait3A_425 = tpu.memref_slice %arg2[%add3A_293, %dma_wait3A_424] : memref<627200x128xf32, #tpu.memory_space<hbm>> -> memref<112x128xf32, #tpu.memory_space<hbm>>
        %dma_wait3A_426 = arith.constant 0 : i32
        %dma_wait3A_427 = tpu.memref_slice %arg2[%add3A_293, %dma_wait3A_426] : memref<627200x128xf32, #tpu.memory_space<hbm>> -> memref<112x128xf32, #tpu.memory_space<hbm>>
        tpu.wait_dma2 semaphore(%arg13 : memref<!tpu.dma_semaphore, #tpu.memory_space<semaphore_mem>>) src(%dma_wait3A_427 : memref<112x128xf32, #tpu.memory_space<hbm>>) dst(%arg10 : memref<112x128xf32, #tpu.memory_space<vmem>>)
        %dma_start3A_428 = arith.constant 0 : i32
        %dma_start3A_429 = arith.constant 0 : i32
        %dma_start3A_430 = tpu.memref_slice %arg11[%dma_start3A_428, %dma_start3A_429] : memref<12560x128xf32, #tpu.memory_space<vmem_shared>> -> memref<12560x128xf32, #tpu.memory_space<vmem_shared>>
        tpu.enqueue_indirect_dma source(%arg10 : memref<112x128xf32, #tpu.memory_space<vmem>>) target(%dma_start3A_430 : memref<12560x128xf32, #tpu.memory_space<vmem_shared>>) offsets(%arg8 : memref<112xi32, #tpu.memory_space<vmem>>) semaphore(%arg15 : memref<!tpu.dma_semaphore, #tpu.memory_space<semaphore_mem>>) {add = true}
      }
      %scan3A_136 = arith.constant 7 : i32
    }
    %scan3A_108 = arith.constant 25 : i32
    %dma_wait3A_109 = arith.constant 0 : i32
    %dma_wait3A_110 = arith.constant 0 : i32
    %dma_wait3A_111 = tpu.memref_slice %arg2[%dma_wait3A_109, %dma_wait3A_110] : memref<627200x128xf32, #tpu.memory_space<hbm>> -> memref<112x128xf32, #tpu.memory_space<hbm>>
    %dma_wait3A_112 = arith.constant 0 : i32
    %dma_wait3A_113 = arith.constant 0 : i32
    %dma_wait3A_114 = tpu.memref_slice %arg2[%dma_wait3A_112, %dma_wait3A_113] : memref<627200x128xf32, #tpu.memory_space<hbm>> -> memref<112x128xf32, #tpu.memory_space<hbm>>
    tpu.wait_dma2 semaphore(%arg14 : memref<!tpu.dma_semaphore, #tpu.memory_space<semaphore_mem>>) src(%dma_wait3A_114 : memref<112x128xf32, #tpu.memory_space<hbm>>) dst(%arg9 : memref<112x128xf32, #tpu.memory_space<vmem>>)
    %dma_wait3A_115 = arith.constant 0 : i32
    %dma_wait3A_116 = arith.constant 0 : i32
    %dma_wait3A_117 = tpu.memref_slice %arg2[%dma_wait3A_115, %dma_wait3A_116] : memref<627200x128xf32, #tpu.memory_space<hbm>> -> memref<112x128xf32, #tpu.memory_space<hbm>>
    %dma_wait3A_118 = arith.constant 0 : i32
    %dma_wait3A_119 = arith.constant 0 : i32
    %dma_wait3A_120 = tpu.memref_slice %arg2[%dma_wait3A_118, %dma_wait3A_119] : memref<627200x128xf32, #tpu.memory_space<hbm>> -> memref<112x128xf32, #tpu.memory_space<hbm>>
    tpu.wait_dma2 semaphore(%arg15 : memref<!tpu.dma_semaphore, #tpu.memory_space<semaphore_mem>>) src(%dma_wait3A_120 : memref<112x128xf32, #tpu.memory_space<hbm>>) dst(%arg10 : memref<112x128xf32, #tpu.memory_space<vmem>>)
    %barrier3A_121 = arith.constant 0 : index
    tpu.barrier barrier_id(%barrier3A_121)
    %mul3A_122 = arith.constant 784 : i32
    %mul3A_123 = arith.muli %arg1, %mul3A_122 : i32
    %mul3A_124 = arith.constant 784 : i32
    %mul3A_125 = arith.muli %arg1, %mul3A_124 : i32
    %add3A_126 = arith.addi %mul3A_65, %mul3A_125 : i32
    "tpu.region"() ({
      %run_scoped3A = tpu.sem_alloc : memref<!tpu.dma_semaphore, #tpu.memory_space<semaphore_mem>>
      %dma_start3A_128 = arith.constant 0 : i32
      %dma_start3A_129 = tpu.memref_slice %arg5[%add3A_126, %dma_start3A_128] : memref<50176x128xf32, #tpu.memory_space<hbm>> -> memref<784x128xf32, #tpu.memory_space<hbm>>
      %dma_start3A_130 = arith.constant 0 : i32
      %dma_start3A_131 = tpu.memref_slice %arg11[%mul3A_123, %dma_start3A_130] : memref<12560x128xf32, #tpu.memory_space<vmem_shared>> -> memref<784x128xf32, #tpu.memory_space<vmem_shared>>
      tpu.enqueue_dma source(%dma_start3A_131 : memref<784x128xf32, #tpu.memory_space<vmem_shared>>) target(%dma_start3A_129 : memref<784x128xf32, #tpu.memory_space<hbm>>) target_semaphore(%run_scoped3A : memref<!tpu.dma_semaphore, #tpu.memory_space<semaphore_mem>>)
      %dma_wait3A_132 = arith.constant 0 : i32
      %dma_wait3A_133 = tpu.memref_slice %arg5[%add3A_126, %dma_wait3A_132] : memref<50176x128xf32, #tpu.memory_space<hbm>> -> memref<784x128xf32, #tpu.memory_space<hbm>>
      %dma_wait3A_134 = arith.constant 0 : i32
      %dma_wait3A_135 = tpu.memref_slice %arg11[%mul3A_123, %dma_wait3A_134] : memref<12560x128xf32, #tpu.memory_space<vmem_shared>> -> memref<784x128xf32, #tpu.memory_space<vmem_shared>>
      tpu.wait_dma2 semaphore(%run_scoped3A : memref<!tpu.dma_semaphore, #tpu.memory_space<semaphore_mem>>) src(%dma_wait3A_135 : memref<784x128xf32, #tpu.memory_space<vmem_shared>>) dst(%dma_wait3A_133 : memref<784x128xf32, #tpu.memory_space<hbm>>)
      tpu.yield
    }) : () -> ()
    %barrier3A_127 = arith.constant 0 : index
    tpu.barrier barrier_id(%barrier3A_127)
    return
  }
}

module attributes {stable_mosaic.version = 14 : i64} {
  func.func @_mm_body(%arg0: i32, %arg1: i32, %arg2: memref<512x128xf32, #tpu.memory_space<vmem>>, %arg3: memref<1x128x128xbf16, #tpu.memory_space<vmem>>, %arg4: memref<512x128xf32, #tpu.memory_space<vmem>>) attributes {dimension_semantics = [#tpu.dimension_semantics<arbitrary>, #tpu.dimension_semantics<arbitrary>], iteration_bounds = array<i64: 27, 45>, scalar_prefetch = 0 : i64, scratch_operands = 0 : i64, tpu.core_type = #tpu.core_type<tc>, window_params = [{transform_indices = @transform_0, window_bounds = array<i64: 512, 128>}, {transform_indices = @transform_1, window_bounds = array<i64: 1, 128, 128>}, {transform_indices = @transform_2, window_bounds = array<i64: 512, 128>}]} {
    %get3A = arith.constant 0 : index
    %get3A_0 = arith.constant 0 : index
    %get3A_1 = vector.load %arg2[%get3A, %get3A_0] : memref<512x128xf32, #tpu.memory_space<vmem>>, vector<512x128xf32>
    %convert_element_type3A = arith.truncf %get3A_1 : vector<512x128xf32> to vector<512x128xbf16>
    %get3A_2 = arith.constant 0 : index
    %get3A_3 = arith.constant 0 : index
    %get3A_4 = arith.constant 0 : index
    %get3A_5 = vector.load %arg3[%get3A_2, %get3A_3, %get3A_4] : memref<1x128x128xbf16, #tpu.memory_space<vmem>>, vector<1x128x128xbf16>
    %get3A_6 = vector.shape_cast %get3A_5 : vector<1x128x128xbf16> to vector<128x128xbf16>
    %dot_general3A = arith.constant dense<0.000000e+00> : vector<512x128xf32>
    %dot_general3A_7 = tpu.matmul %convert_element_type3A, %get3A_6, %dot_general3A {dimension_numbers = #tpu.dot_dimension_numbers<[1], [0], [0], [1], [0, 0, 1, 1], [], []>, transpose_lhs_hint = false} : vector<512x128xbf16>, vector<128x128xbf16>, vector<512x128xf32> -> vector<512x128xf32>
    %swap3A = arith.constant 0 : index
    %swap3A_8 = arith.constant 0 : index
    %swap3A_9 = vector.load %arg4[%swap3A, %swap3A_8] : memref<512x128xf32, #tpu.memory_space<vmem>>, vector<512x128xf32>
    tpu.vector_store %arg4[%swap3A, %swap3A_8], %dot_general3A_7 {strides = array<i32>} : memref<512x128xf32, #tpu.memory_space<vmem>>, vector<512x128xf32>,
    return
  }
  func.func @transform_0(%arg0: i32, %arg1: i32) -> (i32, i32) {
    %mul3A = arith.constant 45 : i32
    %mul3A_0 = arith.muli %arg0, %mul3A : i32
    %add3A = arith.addi %mul3A_0, %arg1 : i32
    %c0_i32 = arith.constant 0 : i32
    %c0_i32_1 = arith.constant 0 : i32
    return %add3A, %c0_i32 : i32, i32
  }
  func.func @transform_1(%arg0: i32, %arg1: i32) -> (i32, i32, i32) {
    %c0_i32 = arith.constant 0 : i32
    %c0_i32_0 = arith.constant 0 : i32
    %c0_i32_1 = arith.constant 0 : i32
    return %arg0, %c0_i32, %c0_i32_0 : i32, i32, i32
  }
  func.func @transform_2(%arg0: i32, %arg1: i32) -> (i32, i32) {
    %mul3A = arith.constant 45 : i32
    %mul3A_0 = arith.muli %arg0, %mul3A : i32
    %add3A = arith.addi %mul3A_0, %arg1 : i32
    %c0_i32 = arith.constant 0 : i32
    %c0_i32_1 = arith.constant 0 : i32
    return %add3A, %c0_i32 : i32, i32
  }
}

module attributes {stable_mosaic.version = 14 : i64} {
  func.func @_stats_body(%arg0: i32, %arg1: memref<512x128xf32, #tpu.memory_space<vmem>>, %arg2: memref<1x128xf32, #tpu.memory_space<vmem>>, %arg3: memref<1x128xf32, #tpu.memory_space<vmem>>) attributes {dimension_semantics = [#tpu.dimension_semantics<arbitrary>], iteration_bounds = array<i64: 98>, scalar_prefetch = 0 : i64, scratch_operands = 0 : i64, tpu.core_type = #tpu.core_type<tc>, window_params = [{transform_indices = @transform_0, window_bounds = array<i64: 512, 128>}, {pipeline_mode = #tpu.pipeline_mode<synchronous>, transform_indices = @transform_1, window_bounds = array<i64: 1, 128>}, {pipeline_mode = #tpu.pipeline_mode<synchronous>, transform_indices = @transform_2, window_bounds = array<i64: 1, 128>}]} {
    %iota3A = tpu.iota {dimensions = array<i32: 0>} : vector<512x1xi32>
    %mul3A = arith.constant 512 : i32
    %mul3A_0 = arith.muli %arg0, %mul3A : i32
    %add3A = vector.broadcast %mul3A_0 : i32 to vector<512x1xi32>
    %add3A_1 = arith.addi %iota3A, %add3A : vector<512x1xi32>
    %lt3A = arith.constant 50000 : i32
    %lt3A_2 = vector.broadcast %lt3A : i32 to vector<512x1xi32>
    %lt3A_3 = arith.cmpi slt, %add3A_1, %lt3A_2 : vector<512x1xi32>
    %get3A = arith.constant 0 : index
    %get3A_4 = arith.constant 0 : index
    %get3A_5 = vector.load %arg1[%get3A, %get3A_4] : memref<512x128xf32, #tpu.memory_space<vmem>>, vector<512x128xf32>
    %jit3A = arith.constant 0.000000e+00 : f32
    %broadcast_in_dim3A = vector.shape_cast %lt3A_3 : vector<512x1xi1> to vector<512x1xi1>
    %broadcast_in_dim3A_6 = vector.broadcast %broadcast_in_dim3A : vector<512x1xi1> to vector<512x128xi1>
    %broadcast_in_dim3A_7 = vector.broadcast %jit3A : f32 to vector<512x128xf32>
    %select_n3A = arith.select %broadcast_in_dim3A_6, %get3A_5, %broadcast_in_dim3A_7 : vector<512x128xi1>, vector<512x128xf32>
    %eq3A = arith.constant 0 : i32
    %eq3A_8 = arith.cmpi eq, %arg0, %eq3A : i32
    %convert_element_type3A = arith.extui %eq3A_8 : i1 to i32
    %cond3A = arith.constant 0 : i32
    %cond3A_9 = arith.cmpi ne, %convert_element_type3A, %cond3A : i32
    scf.if %cond3A_9 {
      %broadcast_in_dim3A_29 = arith.constant 0.000000e+00 : f32
      %broadcast_in_dim3A_30 = vector.broadcast %broadcast_in_dim3A_29 : f32 to vector<1x128xf32>
      %swap3A_31 = arith.constant 0 : index
      %swap3A_32 = arith.constant 0 : index
      %swap3A_33 = vector.load %arg2[%swap3A_31, %swap3A_32] : memref<1x128xf32, #tpu.memory_space<vmem>>, vector<1x128xf32>
      tpu.vector_store %arg2[%swap3A_31, %swap3A_32], %broadcast_in_dim3A_30 {strides = array<i32>} : memref<1x128xf32, #tpu.memory_space<vmem>>, vector<1x128xf32>,
      %broadcast_in_dim3A_34 = arith.constant 0.000000e+00 : f32
      %broadcast_in_dim3A_35 = vector.broadcast %broadcast_in_dim3A_34 : f32 to vector<1x128xf32>
      %swap3A_36 = arith.constant 0 : index
      %swap3A_37 = arith.constant 0 : index
      %swap3A_38 = vector.load %arg3[%swap3A_36, %swap3A_37] : memref<1x128xf32, #tpu.memory_space<vmem>>, vector<1x128xf32>
      tpu.vector_store %arg3[%swap3A_36, %swap3A_37], %broadcast_in_dim3A_35 {strides = array<i32>} : memref<1x128xf32, #tpu.memory_space<vmem>>, vector<1x128xf32>,
    } else {
    }
    %get3A_10 = arith.constant 0 : index
    %get3A_11 = arith.constant 0 : index
    %get3A_12 = vector.load %arg2[%get3A_10, %get3A_11] : memref<1x128xf32, #tpu.memory_space<vmem>>, vector<1x128xf32>
    %reduce_sum3A = arith.constant dense<0.000000e+00> : vector<128xf32>
    %reduce_sum3A_13 = vector.multi_reduction <add>, %select_n3A, %reduce_sum3A [0] : vector<512x128xf32> to vector<128xf32>
    %broadcast_in_dim3A_14 = vector.shape_cast %reduce_sum3A_13 : vector<128xf32> to vector<1x128xf32>
    %add3A_15 = arith.addf %get3A_12, %broadcast_in_dim3A_14 : vector<1x128xf32>
    %swap3A = arith.constant 0 : index
    %swap3A_16 = arith.constant 0 : index
    %swap3A_17 = vector.load %arg2[%swap3A, %swap3A_16] : memref<1x128xf32, #tpu.memory_space<vmem>>, vector<1x128xf32>
    tpu.vector_store %arg2[%swap3A, %swap3A_16], %add3A_15 {strides = array<i32>} : memref<1x128xf32, #tpu.memory_space<vmem>>, vector<1x128xf32>,
    %get3A_18 = arith.constant 0 : index
    %get3A_19 = arith.constant 0 : index
    %get3A_20 = vector.load %arg3[%get3A_18, %get3A_19] : memref<1x128xf32, #tpu.memory_space<vmem>>, vector<1x128xf32>
    %mul3A_21 = arith.mulf %select_n3A, %select_n3A : vector<512x128xf32>
    %reduce_sum3A_22 = arith.constant dense<0.000000e+00> : vector<128xf32>
    %reduce_sum3A_23 = vector.multi_reduction <add>, %mul3A_21, %reduce_sum3A_22 [0] : vector<512x128xf32> to vector<128xf32>
    %broadcast_in_dim3A_24 = vector.shape_cast %reduce_sum3A_23 : vector<128xf32> to vector<1x128xf32>
    %add3A_25 = arith.addf %get3A_20, %broadcast_in_dim3A_24 : vector<1x128xf32>
    %swap3A_26 = arith.constant 0 : index
    %swap3A_27 = arith.constant 0 : index
    %swap3A_28 = vector.load %arg3[%swap3A_26, %swap3A_27] : memref<1x128xf32, #tpu.memory_space<vmem>>, vector<1x128xf32>
    tpu.vector_store %arg3[%swap3A_26, %swap3A_27], %add3A_25 {strides = array<i32>} : memref<1x128xf32, #tpu.memory_space<vmem>>, vector<1x128xf32>,
    return
  }
  func.func @transform_0(%arg0: i32) -> (i32, i32) {
    %c0_i32 = arith.constant 0 : i32
    %c0_i32_0 = arith.constant 0 : i32
    return %arg0, %c0_i32 : i32, i32
  }
  func.func @transform_1(%arg0: i32) -> (i32, i32) {
    %c0_i32 = arith.constant 0 : i32
    %c0_i32_0 = arith.constant 0 : i32
    %c0_i32_1 = arith.constant 0 : i32
    return %c0_i32, %c0_i32_0 : i32, i32
  }
  func.func @transform_2(%arg0: i32) -> (i32, i32) {
    %c0_i32 = arith.constant 0 : i32
    %c0_i32_0 = arith.constant 0 : i32
    %c0_i32_1 = arith.constant 0 : i32
    return %c0_i32, %c0_i32_0 : i32, i32
  }
}

module attributes {stable_mosaic.version = 14 : i64} {
  func.func @_apply_body(%arg0: i32, %arg1: memref<512x128xf32, #tpu.memory_space<vmem>>, %arg2: memref<1x128xf32, #tpu.memory_space<vmem>>, %arg3: memref<1x128xf32, #tpu.memory_space<vmem>>, %arg4: memref<1x128xf32, #tpu.memory_space<vmem>>, %arg5: memref<1x128xf32, #tpu.memory_space<vmem>>, %arg6: memref<512x128xf32, #tpu.memory_space<vmem>>) attributes {dimension_semantics = [#tpu.dimension_semantics<arbitrary>], iteration_bounds = array<i64: 98>, scalar_prefetch = 0 : i64, scratch_operands = 0 : i64, tpu.core_type = #tpu.core_type<tc>, window_params = [{transform_indices = @transform_0, window_bounds = array<i64: 512, 128>}, {pipeline_mode = #tpu.pipeline_mode<synchronous>, transform_indices = @transform_1, window_bounds = array<i64: 1, 128>}, {pipeline_mode = #tpu.pipeline_mode<synchronous>, transform_indices = @transform_2, window_bounds = array<i64: 1, 128>}, {pipeline_mode = #tpu.pipeline_mode<synchronous>, transform_indices = @transform_3, window_bounds = array<i64: 1, 128>}, {pipeline_mode = #tpu.pipeline_mode<synchronous>, transform_indices = @transform_4, window_bounds = array<i64: 1, 128>}, {transform_indices = @transform_5, window_bounds = array<i64: 512, 128>}]} {
    %get3A = arith.constant 0 : index
    %get3A_0 = arith.constant 0 : index
    %get3A_1 = vector.load %arg2[%get3A, %get3A_0] : memref<1x128xf32, #tpu.memory_space<vmem>>, vector<1x128xf32>
    %mul3A = arith.constant 2.000000e-05 : f32
    %mul3A_2 = vector.broadcast %mul3A : f32 to vector<1x128xf32>
    %mul3A_3 = arith.mulf %get3A_1, %mul3A_2 : vector<1x128xf32>
    %get3A_4 = arith.constant 0 : index
    %get3A_5 = arith.constant 0 : index
    %get3A_6 = vector.load %arg3[%get3A_4, %get3A_5] : memref<1x128xf32, #tpu.memory_space<vmem>>, vector<1x128xf32>
    %mul3A_7 = arith.constant 2.000000e-05 : f32
    %mul3A_8 = vector.broadcast %mul3A_7 : f32 to vector<1x128xf32>
    %mul3A_9 = arith.mulf %get3A_6, %mul3A_8 : vector<1x128xf32>
    %mul3A_10 = arith.mulf %mul3A_3, %mul3A_3 : vector<1x128xf32>
    %sub3A = arith.subf %mul3A_9, %mul3A_10 : vector<1x128xf32>
    %add3A = arith.constant 9.99999974E-6 : f32
    %add3A_11 = vector.broadcast %add3A : f32 to vector<1x128xf32>
    %add3A_12 = arith.addf %sub3A, %add3A_11 : vector<1x128xf32>
    %rsqrt3A = math.rsqrt %add3A_12 : vector<1x128xf32>
    %get3A_13 = arith.constant 0 : index
    %get3A_14 = arith.constant 0 : index
    %get3A_15 = vector.load %arg4[%get3A_13, %get3A_14] : memref<1x128xf32, #tpu.memory_space<vmem>>, vector<1x128xf32>
    %mul3A_16 = arith.mulf %rsqrt3A, %get3A_15 : vector<1x128xf32>
    %get3A_17 = arith.constant 0 : index
    %get3A_18 = arith.constant 0 : index
    %get3A_19 = vector.load %arg1[%get3A_17, %get3A_18] : memref<512x128xf32, #tpu.memory_space<vmem>>, vector<512x128xf32>
    %sub3A_20 = vector.broadcast %mul3A_3 : vector<1x128xf32> to vector<512x128xf32>
    %sub3A_21 = arith.subf %get3A_19, %sub3A_20 : vector<512x128xf32>
    %mul3A_22 = vector.broadcast %mul3A_16 : vector<1x128xf32> to vector<512x128xf32>
    %mul3A_23 = arith.mulf %sub3A_21, %mul3A_22 : vector<512x128xf32>
    %get3A_24 = arith.constant 0 : index
    %get3A_25 = arith.constant 0 : index
    %get3A_26 = vector.load %arg5[%get3A_24, %get3A_25] : memref<1x128xf32, #tpu.memory_space<vmem>>, vector<1x128xf32>
    %add3A_27 = vector.broadcast %get3A_26 : vector<1x128xf32> to vector<512x128xf32>
    %add3A_28 = arith.addf %mul3A_23, %add3A_27 : vector<512x128xf32>
    %max3A = arith.constant 0.000000e+00 : f32
    %max3A_29 = vector.broadcast %max3A : f32 to vector<512x128xf32>
    %max3A_30 = arith.maximumf %add3A_28, %max3A_29 : vector<512x128xf32>
    %swap3A = arith.constant 0 : index
    %swap3A_31 = arith.constant 0 : index
    %swap3A_32 = vector.load %arg6[%swap3A, %swap3A_31] : memref<512x128xf32, #tpu.memory_space<vmem>>, vector<512x128xf32>
    tpu.vector_store %arg6[%swap3A, %swap3A_31], %max3A_30 {strides = array<i32>} : memref<512x128xf32, #tpu.memory_space<vmem>>, vector<512x128xf32>,
    return
  }
  func.func @transform_0(%arg0: i32) -> (i32, i32) {
    %c0_i32 = arith.constant 0 : i32
    %c0_i32_0 = arith.constant 0 : i32
    return %arg0, %c0_i32 : i32, i32
  }
  func.func @transform_1(%arg0: i32) -> (i32, i32) {
    %c0_i32 = arith.constant 0 : i32
    %c0_i32_0 = arith.constant 0 : i32
    %c0_i32_1 = arith.constant 0 : i32
    return %c0_i32, %c0_i32_0 : i32, i32
  }
  func.func @transform_2(%arg0: i32) -> (i32, i32) {
    %c0_i32 = arith.constant 0 : i32
    %c0_i32_0 = arith.constant 0 : i32
    %c0_i32_1 = arith.constant 0 : i32
    return %c0_i32, %c0_i32_0 : i32, i32
  }
  func.func @transform_3(%arg0: i32) -> (i32, i32) {
    %c0_i32 = arith.constant 0 : i32
    %c0_i32_0 = arith.constant 0 : i32
    %c0_i32_1 = arith.constant 0 : i32
    return %c0_i32, %c0_i32_0 : i32, i32
  }
  func.func @transform_4(%arg0: i32) -> (i32, i32) {
    %c0_i32 = arith.constant 0 : i32
    %c0_i32_0 = arith.constant 0 : i32
    %c0_i32_1 = arith.constant 0 : i32
    return %c0_i32, %c0_i32_0 : i32, i32
  }
  func.func @transform_5(%arg0: i32) -> (i32, i32) {
    %c0_i32 = arith.constant 0 : i32
    %c0_i32_0 = arith.constant 0 : i32
    return %arg0, %c0_i32 : i32, i32
  }
}

</mosaic_0001>

<sc_bundles>
// kernel: kernel.10.cloned.1.call-start
scs
__scs_entry_jumppad:
0x0: {  	(pc) =	sbr.rel $0x88, $3  }
0x1: {  	(tag) =	ssettag $0x0;
	lr =	simm.s32 $0x1  }
0x2: {  	[smem:$0x3F9C] =	sst lr;
	_ =	strace $0xD0000000  }
0x3: {  	_ = 	snop  }
0x4: {  	_ = 	snop  }
0x5: {  	_ = 	snop  }
0x6: {  	_ = 	snop  }
0x7: {  	_ = 	snop  }
__scs_overlays_trampoline_lowered:
0x8: {  	[smem:$0x3FAB] =	sst s0  }
0x9: {  	[smem:$0x3FAC] =	sst s1  }
0xa: {  	[smem:$0x3FAD] =	sst s2  }
0xb: {  	[smem:$0x3FAE] =	sst s3  }
0xc: {  	[smem:$0x3FAF] =	sst s4  }
0xd: {  	[smem:$0x3FB0] =	sst s5  }
0xe: {  	[smem:$0x3FB1] =	sst s6  }
0xf: {  	[smem:$0x3FB2] =	sst s7  }
0x10: {  	[smem:$0x3FB3] =	sst s8  }
0x11: {  	[smem:$0x3FB4] =	sst s9;
	s0 =	simm.s32 @!p0 $0x0  }
0x12: {  	s1 =	sld [smem:$0x3F9A];
	s0 =	simm.s32 @p0 $0x1  }
0x13: {  	[smem:$0x3FB5] =	sst s0;
	s0 =	simm.s32 @!p1 $0x0  }
0x14: {  	s2 =	sld [smem:$0x3F99];
	s0 =	simm.s32 @p1 $0x1  }
0x15: {  	[smem:$0x3FB6] =	sst s0;
	s0 =	simm.s32 @!p2 $0x0  }
0x16: {  	s3 =	sld [smem:$0x3FDB];
	s0 =	simm.s32 @p2 $0x1  }
0x17: {  	s4 =	simm.s32 $0x1BF5;
	[smem:$0x3FB8] =	sst s0  }
0x18: {  	s0 =	sld [smem:$0x3F9B];
	_ =	swait.ge [sflag:s4], $0x0  }
0x19: {  	s7 =	sld [smem:$0x3F9C]  }
0x1a: {  	s8 =	sadd.s32 $0xFFFFE003, lr  }
0x1b: {  	s9 =	sadd.s32 $0xFFFFFEF7, lr;
	s5 =	simm.s32 $0xFFFFFFFF;
	p2 =	slt.u32 s8, $0xFFFFF086  }
0x1c: {  	p1 =	slt.u32 s9, $0xF7A;
	s5 =	simm.s32 @!p2 $0x0  }
0x1d: {  	s5 =	simm.s32 @p1 $0x1;
	p0 =	seq.s32 s7, s2  }
0x1e: {  	s7 =	smul.u32 @!p0 $0xF7A, s2;
	p2 =	seq.s32 @!p0 s5, $0x0  }
0x1f: {  	s9 =	smul.u32 $0xF7A, s1;
	s8 =	simm.s32 @!p0 $0x1BF5;
	p2 =	por !p2, p0  }
0x20: {  	[sflag:s8] =	ssyncset.s32 @!p0 $0xFFFFF086;
	s6 =	sadd.s32 @!p0 s3, s7;
	s7 =	simm.s32 @!p0 $0x108  }
0x21: {  	s3 =	sadd.s32 s3, s9;
	s6 =	sadd.s32 @!p0 $0x88, s6;
	s7 =	simm.s32 @p2 $0x1082  }
0x22: {  	[simem:s7], [sflag:s8] =	dma.local @!p0 [hbm:s6], $0xF7A  }
0x23: {  	s9 =	sor.u32 $0xD0000000, s2;
	s6 =	simm.s32 $0x108;
	_ =	swait.ge @!p0 [sflag:s8], $0x0  }
0x24: {  	s3 =	sadd.s32 $0x88, s3;
	s6 =	simm.s32 @!p1 $0x1082;
	[sflag:s4] =	ssyncset.s32 $0xFFFFF086  }
0x25: {  	[simem:s6], [sflag:s4] =	dma.local [hbm:s3], $0xF7A  }
0x26: {  	[smem:$0x3F9C] =	sst s1;
	(tag) =	ssettag s2;
	_ =	strace s9  }
0x27: {  	s1 =	sld [smem:$0x3FAC]  }
0x28: {  	s2 =	sld [smem:$0x3FAD]  }
0x29: {  	s4 =	sld [smem:$0x3FAF]  }
0x2a: {  	p0 =	seq.s32 s5, $0x0;
	s5 =	sld [smem:$0x3FB0]  }
0x2b: {  	s6 =	sld [smem:$0x3FB1]  }
0x2c: {  	s7 =	sld [smem:$0x3FB2]  }
0x2d: {  	s3 =	simm.s32 $0x108;
	s8 =	sld [smem:$0x3FB3]  }
0x2e: {  	s3 =	simm.s32 @!p0 $0x1082;
	s9 =	sld [smem:$0x3FB4]  }
0x2f: {  	lr =	sadd.s32 s0, s3;
	s0 =	sld [smem:$0x3FAB]  }
0x30: {  	s3 =	sld [smem:$0x3FAE]  }
0x31: {  	[smem:$0x3FB7] =	sst s10  }
0x32: {  	s10 =	sld [smem:$0x3FB5];
	_ =	sdelay $0x3  }
0x33: {  	p0 =	seq.s32 s10, $0x1;
	s10 =	sld [smem:$0x3FB7];
	_ =	sdelay $0x3  }
0x34: {  	[smem:$0x3FB7] =	sst s10  }
0x35: {  	s10 =	sld [smem:$0x3FB6];
	_ =	sdelay $0x3  }
0x36: {  	p1 =	seq.s32 s10, $0x1;
	s10 =	sld [smem:$0x3FB7];
	_ =	sdelay $0x3  }
0x37: {  	[smem:$0x3FB7] =	sst s10  }
0x38: {  	s10 =	sld [smem:$0x3FB8]  }
0x39: {  	_ = 	snop;
	(pc) =	sbr.ind lr, $3  }
0x3a: {  	_ = 	snop  }
0x3b: {  	_ = 	snop  }
0x3c: {  	p2 =	seq.s32 s10, $0x1;
	s10 =	sld [smem:$0x3FB7]  }
0x3d: {  	_ =	shalt  }
0x3e: {  	_ =	shalt  }
0x3f: {  	_ =	shalt  }
0x40: {  	_ =	shalt  }
0x41: {  	_ =	shalt  }
0x42: {  	_ =	shalt  }
0x43: {  	_ =	shalt  }
0x44: {  	_ =	shalt  }
0x45: {  	_ =	shalt  }
0x46: {  	_ =	shalt  }
0x47: {  	_ =	shalt  }
0x48: {  	_ =	shalt  }
0x49: {  	_ =	shalt  }
0x4a: {  	_ =	shalt  }
0x4b: {  	_ =	shalt  }
0x4c: {  	_ =	shalt  }
0x4d: {  	_ =	shalt  }
0x4e: {  	_ =	shalt  }
0x4f: {  	_ =	shalt  }
0x50: {  	_ =	shalt  }
0x51: {  	_ =	shalt  }
0x52: {  	_ =	shalt  }
0x53: {  	_ =	shalt  }
0x54: {  	_ =	shalt  }
0x55: {  	_ =	shalt  }
0x56: {  	_ =	shalt  }
0x57: {  	_ =	shalt  }
0x58: {  	_ =	shalt  }
0x59: {  	_ =	shalt  }
0x5a: {  	_ =	shalt  }
0x5b: {  	_ =	shalt  }
0x5c: {  	_ =	shalt  }
0x5d: {  	_ =	shalt  }
0x5e: {  	_ =	shalt  }
0x5f: {  	_ =	shalt  }
0x60: {  	_ =	shalt  }
0x61: {  	_ =	shalt  }
0x62: {  	_ =	shalt  }
0x63: {  	_ =	shalt  }
0x64: {  	_ =	shalt  }
0x65: {  	_ =	shalt  }
0x66: {  	_ =	shalt  }
0x67: {  	_ =	shalt  }
0x68: {  	_ =	shalt  }
0x69: {  	_ =	shalt  }
0x6a: {  	_ =	shalt  }
0x6b: {  	_ =	shalt  }
0x6c: {  	_ =	shalt  }
0x6d: {  	_ =	shalt  }
0x6e: {  	_ =	shalt  }
0x6f: {  	_ =	shalt  }
0x70: {  	_ =	shalt  }
0x71: {  	_ =	shalt  }
0x72: {  	_ =	shalt  }
0x73: {  	_ =	shalt  }
0x74: {  	_ =	shalt  }
0x75: {  	_ =	shalt  }
0x76: {  	_ =	shalt  }
0x77: {  	_ =	shalt  }
0x78: {  	_ =	shalt  }
0x79: {  	_ =	shalt  }
0x7a: {  	_ =	shalt  }
0x7b: {  	_ =	shalt  }
0x7c: {  	_ =	shalt  }
0x7d: {  	_ =	shalt  }
0x7e: {  	_ =	shalt  }
0x7f: {  	_ =	shalt  }
0x80: {  	_ =	shalt  }
0x81: {  	_ =	shalt  }
0x82: {  	_ =	shalt  }
0x83: {  	_ =	shalt  }
0x84: {  	_ =	shalt  }
0x85: {  	_ =	shalt  }
0x86: {  	_ =	shalt  }
0x87: {  	_ =	shalt  }
.Lfunc_end0:
.L_simem_size_0:
called_computation.1_lowered:
.L_overlay_start_0:
0x88: {  	s2 =	sld [smem:$0x3FD9]  }
0x89: {  	s3 =	sld [smem:$0x3FFE];
	_ =	sdelay $0x1  }
0x8a: {  	s1 =	srdreg.scid  }
0x8b: {  	s0 =	sand.u32 $0x1, s1  }
0x8c: {  	s17 =	sshll.u32 s0, $0xA;
	s2 =	sadd.s32 s3, s2  }
0x8d: {  	s2 =	sadd.s32 s2, s17  }
0x8e: {  	[smem:$0x3FC3] =	sst s2  }
0x8f: {  	_ = 	snop  }
0x90: {  	s2 =	sld [smem:$0x3FD0];
	(tm) =	ssettm $0x1  }
0x91: {  	s18 =	sld [smem:$0x3FFB];
	_ =	sdelay $0x3  }
0x92: {  	_ =	strace s18  }
0x93: {  	s3 =	sld [smem:$0x3FFC];
	_ =	sdelay $0x3  }
0x94: {  	_ =	strace s3  }
0x95: {  	s3 =	sld [smem:$0x3FFD];
	_ =	sdelay $0x3  }
0x96: {  	_ =	strace s3  }
0x97: {  	_ =	strace $0x8FFFFFFF  }
0x98: {  	s19 =	sld [smem:$0x3FDB];
	_ =	sdelay $0x1  }
0x99: {  	s4 =	simm.s32 $_scs_section_size  }
0x9a: {  	s5 =	simm.s32 $_size__tile_overlayer_lowered;
	s6 =	simm.s32 $_tile_overlayer_lowered  }
0x9b: {  	s22 =	simm.s32 $0x1BFF;
	s21 =	sshll.u32 s6, $0x1;
	s3 =	sadd.s32 s4, s19  }
0x9c: {  	s7 =	simm.s32 $0x0;
	s20 =	sshll.u32 s5, $0x1;
	s5 =	sadd.s32 s21, s3  }
0x9d: {  	[timem:s7], [sflag:s22] =	dma.local [hbm:s5], s20  }
0x9e: {  	_ =	swait.ge [sflag:s22], s20  }
0x9f: {  	s4 =	ssub.s32 $0x0, s20;
	[sflag:s22] =	ssyncset.done $0x0  }
0xa0: {  	[sflag:s22] =	ssyncadd.s32 s4;
	_ =	sdelay $0x1  }
0xa1: {  	s23 =	simm.s32 $0x1B8B  }
0xa2: {  	_ =	swait.ge [sflag:s23], $0x1  }
0xa3: {  	[sflag:s23] =	ssyncset.done $0x0  }
0xa4: {  	s25 =	simm.s32 $0x1B8E;
	s24 =	sld [smem:$0x3FFE];
	[sflag:s23] =	ssyncadd.s32 $0xFFFFFFFF  }
0xa5: {  	s26 =	simm.s32 $execute0_lowered;
	[smem:$0x3FD2] =	sst s25  }
0xa6: {  	s5 =	sshll.u32 s26, $0x1;
	_ =	strace $0x80000049;
	[dreg:$0x1] =	wrdreg $0xFFFFFFFF  }
0xa7: {  	s28 =	simm.s32 $_size_execute0_lowered;
	s3 =	sadd.s32 s3, s5;
	[dreg:$0x0] =	wrdreg $0x0  }
0xa8: {  	s5 =	sshll.u32 s28, $0x1;
	[dreg:$0x2] =	wrdreg s3  }
0xa9: {  	[dreg:$0x3] =	wrdreg s5  }
0xaa: {  	[dreg:$0x4] =	wrdreg $0xC0  }
0xab: {  	_ =	task [dreg:s7], $0x5FFFF  }
0xac: {  	[dreg:$0x1] =	wrdreg $0xFFFFFFFF  }
0xad: {  	[dreg:$0x0] =	wrdreg $0x60  }
0xae: {  	[dreg:$0x2] =	wrdreg s24  }
0xaf: {  	[dreg:$0x3] =	wrdreg s2  }
0xb0: {  	[dreg:$0x4] =	wrdreg $0x77800  }
0xb1: {  	[dreg:$0x5] =	wrdreg $0x9  }
0xb2: {  	_ =	task.clear_ibuf [dreg:s7], $0x6FFFF;
	_ =	strace $0x90000049  }
0xb3: {  	s29 =	simm.s32 $0x9;
	_ =	strace $0x8000004B  }
0xb4: {  	_ =	swait.ge [sflag:s29], $0x1  }
0xb5: {  	[sflag:s29] =	ssyncadd.s32 $0xFFFFFFFF  }
0xb6: {  	_ =	strace $0x9000004B  }
0xb7: {  	_ =	sfence  }
0xb8: {  	s30 =	sld [smem:$0x0];
	_ =	sdelay $0x2  }
0xb9: {  	s31 =	sshll.u32 s1, $0xD;
	s1 =	sshrl.u32 s1, $0x2  }
0xba: {  	s3 =	sand.u32 $0x4000, s31;
	s1 =	sadd.s32 s1, s30  }
0xbb: {  	s0 =	sor.u32 s3, s0;
	s1 =	sshll.u32 s1, $0x11  }
0xbc: {  	s0 =	sor.u32 s1, s0  }
0xbd: {  	s0 =	sadd.s32 $0x8F2B, s0  }
0xbe: {  	[sflag:s0] =	ssyncadd.remote.s32 $0x1  }
0xbf: {  	_ =	sfence.sel $0xFFFF  }
0xc0: {  	[dreg:$0x0] =	wrdreg $0xFFFFFFFF;
	(pc) =	sbr.abs _section_cstart, $3  }
0xc1: {  	[dreg:$0x1] =	wrdreg $0xFFFFFFFF  }
0xc2: {  	_ =	task.clear_ibuf [dreg:s7], $0x2FFFF;
	_ =	strace $0x9FFFFFFF  }
0xc3: {  	(tm) =	ssettm $0x7FFFFFFF  }
tec
execute0_lowered:
.L_overlay_start_1:
0x0: {  	(tag) =	ssettag $0x1  }
0x1: {  	s6 =	rddreg [dreg:$0x0]  }
0x2: {  	s2 =	rddreg [dreg:$0x1]  }
0x3: {  	s3 =	rddreg [dreg:$0x2];
	s1 =	stileid.u32;
	s4 =	simm.s32 $0x0  }
0x4: {  	s7 =	srdreg.scid;
	s15 =	simm.s32 $0x680;
	s16 =	simm.s32 $0x780  }
0x5: {  	s17 =	simm.s32 $0x700;
	s20 =	simm.s32 $0x1;
	s5 =	smul.u32 $0x99200, s1  }
0x6: {  	s23 =	simm.s32 $0x0;
	[smem:$0x7FF] =	sst s4;
	s9 =	smul.u32 $0x62000, s1  }
0x7: {  	s7 =	sand.u32 $0x1, s7;
	s10 =	sadd.s32 $0x400, s6;
	s26 =	smul.u32 $0x310, s1  }
0x8: {  	s29 =	sshll.u32 s1, $0x6;
	_ =	strace $0x8000004A;
	s8 =	ssub.s32 $0x2, s7  }
0x9: {  	s18 =	smul.u32 $0x3100, s7;
	s7 =	sor.u32 $0x1C05, s29;
	s11 =	sadd.s32 s5, s6  }
0xa: {  	s5 =	sadd.s32 $0x9A5400, s6;
	s25 =	sshrl.u32 s8, $0x1;
	s28 =	sshrl.u32 s9, $0x2  }
0xb: {  	s6 =	smul.u32 $0x9920, s1;
	s12 =	ssub.s32 s8, s25;
	s13 =	sadd.s32 s28, s3  }
0xc: {  	s30 =	sadd.s32 s26, s18;
	s21 =	sadd.s32 $0x6200, s18;
	s19 =	sadd.s32 $0x3100, s18  }
0xd: {  	s22 =	sadd.s32 $0x9300, s18;
	s11 =	sadd.s32 $0x9B8800, s11;
	v0 =	vmov s18;
	s18 =	simm.s32 $0x3F80  }
0xe: {  	s9 =	sshll.u32 s30, $0x4;
	s14 =	sadd.s32 s26, s21;
	v1 =	vmov s19;
	s19 =	simm.s32 $0x3  }
0xf: {  	v2 =	vmov s21;
	v3 =	vmov s22;
	s21 =	simm.s32 $0x4;
	s22 =	simm.s32 $0x2;
	s31 =	sshll.u32 s14, $0x4  }
0x10: {  	s8 =	sadd.s32 s10, s9;
	s14 =	simm.s32 $0x70;
	s9 =	sadd.s32 s10, s31  }
0x11: {  	v4 =	vimm.s32 $0x3100;
	s10 =	smax.u32 s12, $0x1;
	s12 =	sshrl.u32 s13, $0x3;
	s13 =	simm.s32 $0x5  }
.LBB2_1:
0x12: {  	[spmem:s12], [sflag:s7] =	dma.local [hbm:s2], $0x3100  }
0x13: {  	_ =	swait.ge [sflag:s13], $0x3100  }
0x14: {  	[sflag:s13] =	ssyncset.done $0x0  }
0x15: {  	[sflag:s13] =	ssyncadd.s32 $0xFFFFCF00  }
0x16: {  	[bflag:$0x0] =	sbarrier.arrive $0xFFFF  }
0x17: {  	[tilespmem:$0x680] =	vst v4  }
0x18: {  	[tilespmem:$0x690] =	vst v4  }
0x19: {  	[tilespmem:$0x6A0] =	vst v4  }
0x1a: {  	[tilespmem:$0x6B0] =	vst v4  }
0x1b: {  	[tilespmem:$0x6C0] =	vst v4  }
0x1c: {  	[tilespmem:$0x6D0] =	vst v4  }
0x1d: {  	[tilespmem:$0x6E0] =	vst v4  }
0x1e: {  	[spmem:s3] =	stream.indirect.scatter.add.f32 [tilespmem:s16], [sflag:$0x3], $0x80, s15, s14, $0xb8;
	v63 =	vld [tilespmem:$0x0]  }
0x1f: {  	[tilespmem:$0x700] =	vst v4  }
0x20: {  	[tilespmem:$0x710] =	vst v4  }
0x21: {  	[tilespmem:$0x720] =	vst v4  }
0x22: {  	[tilespmem:$0x730] =	vst v4  }
0x23: {  	[tilespmem:$0x740] =	vst v4  }
0x24: {  	[tilespmem:$0x750] =	vst v4  }
0x25: {  	s24 =	smov.u32 s11;
	s25 =	simm.s32 $0x0;
	[tilespmem:$0x760] =	vst v4  }
0x26: {  	[spmem:s3] =	stream.indirect.scatter.add.f32 [tilespmem:s18], [sflag:$0x4], $0x80, s17, s14, $0xb8;
	v63 =	vld [tilespmem:$0x0]  }
.LBB2_2:
0x27: {  	s26 =	smul.u32 $0x620, s25;
	_ =	sdelay $0x1  }
0x28: {  	s26 =	sadd.s32 s6, s26  }
0x29: {  	s26 =	sshrl.u32 s26, $0x3  }
0x2a: {  	s28 =	simm.s32 $0x0;
	s26 =	sadd.s32 s5, s26  }
0x2b: {  	[tilespmem:s28], [sflag:$0x5] =	stream.linear.gather [hbm4b:s26+s28], $0x620, $0x38;
	v63 =	vld [tilespmem:$0x0]  }
0x2c: {  	_ =	swait.ge [sflag:s13], $0x620  }
0x2d: {  	[sflag:s13] =	ssyncset.done $0x0  }
0x2e: {  	[sflag:s13] =	ssyncadd.s32 $0xFFFFF9E0  }
0x2f: {  	_ =	swait.ge [sflag:s19], $0x3800  }
0x30: {  	[sflag:s19] =	ssyncset.done $0x0  }
0x31: {  	s31 =	simm.s32 $0x70;
	[sflag:s19] =	ssyncadd.s32 $0xFFFFC800  }
0x32: {  	[tilespmem:s16], [sflag:$0x1] =	stream.linear.gather [hbm4b:s24+s4], $0x3800, $0x38;
	v63 =	vld [tilespmem:$0x0]  }
0x33: {  	v5 =	vld [tilespmem:s31+$0xFFFFFF90];
	_ =	sdelay $0x4  }
0x34: {  	vm0 =	vge.s32 v5, v0;
	vm1 =	vlt.s32 v5, v1  }
0x35: {  	v5 =	vsub.s32 v5, v0;
	vm0 =	vmand vm0, vm1  }
0x36: {  	v5 =	vnsel vm0, $0x3100, v5  }
0x37: {  	[tilespmem:$0x680] =	vst v5  }
0x38: {  	v5 =	vld [tilespmem:s31+$0xFFFFFFA0];
	_ =	sdelay $0x4  }
0x39: {  	vm14 =	vge.s32 v5, v0;
	vm15 =	vlt.s32 v5, v1  }
0x3a: {  	v5 =	vsub.s32 v5, v0;
	vm0 =	vmand vm14, vm15  }
0x3b: {  	v5 =	vnsel vm0, $0x3100, v5  }
0x3c: {  	[tilespmem:$0x690] =	vst v5  }
0x3d: {  	v5 =	vld [tilespmem:s31+$0xFFFFFFB0];
	_ =	sdelay $0x4  }
0x3e: {  	vm4 =	vge.s32 v5, v0;
	vm5 =	vlt.s32 v5, v1  }
0x3f: {  	v5 =	vsub.s32 v5, v0;
	vm0 =	vmand vm4, vm5  }
0x40: {  	v5 =	vnsel vm0, $0x3100, v5  }
0x41: {  	[tilespmem:$0x6A0] =	vst v5  }
0x42: {  	v5 =	vld [tilespmem:s31+$0xFFFFFFC0];
	_ =	sdelay $0x4  }
0x43: {  	vm6 =	vge.s32 v5, v0;
	vm7 =	vlt.s32 v5, v1  }
0x44: {  	v5 =	vsub.s32 v5, v0;
	vm0 =	vmand vm6, vm7  }
0x45: {  	v5 =	vnsel vm0, $0x3100, v5  }
0x46: {  	[tilespmem:$0x6B0] =	vst v5  }
0x47: {  	v5 =	vld [tilespmem:s31+$0xFFFFFFD0];
	_ =	sdelay $0x4  }
0x48: {  	vm8 =	vge.s32 v5, v0;
	vm9 =	vlt.s32 v5, v1  }
0x49: {  	v5 =	vsub.s32 v5, v0;
	vm0 =	vmand vm8, vm9  }
0x4a: {  	v5 =	vnsel vm0, $0x3100, v5  }
0x4b: {  	[tilespmem:$0x6C0] =	vst v5  }
0x4c: {  	v5 =	vld [tilespmem:s31+$0xFFFFFFE0];
	_ =	sdelay $0x4  }
0x4d: {  	vm10 =	vge.s32 v5, v0;
	vm11 =	vlt.s32 v5, v1  }
0x4e: {  	v5 =	vsub.s32 v5, v0;
	vm0 =	vmand vm10, vm11  }
0x4f: {  	v5 =	vnsel vm0, $0x3100, v5  }
0x50: {  	[tilespmem:$0x6D0] =	vst v5  }
0x51: {  	v5 =	vld [tilespmem:s31+$0xFFFFFFF0];
	_ =	sdelay $0x4  }
0x52: {  	vm12 =	vge.s32 v5, v0;
	vm13 =	vlt.s32 v5, v1  }
0x53: {  	v5 =	vsub.s32 v5, v0;
	vm0 =	vmand vm12, vm13  }
0x54: {  	v5 =	vnsel vm0, $0x3100, v5  }
0x55: {  	[tilespmem:$0x6E0] =	vst v5  }
0x56: {  	_ =	swait.ge [sflag:s20], $0x3800  }
0x57: {  	[sflag:s20] =	ssyncset.done $0x0  }
0x58: {  	[sflag:s20] =	ssyncadd.s32 $0xFFFFC800  }
0x59: {  	[spmem:s3] =	stream.indirect.scatter.add.f32 [tilespmem:s16], [sflag:$0x3], $0x80, s15, s14, $0xb8;
	v63 =	vld [tilespmem:$0x0]  }
0x5a: {  	_ =	swait.ge [sflag:s21], $0x3800  }
0x5b: {  	[sflag:s21] =	ssyncset.done $0x0  }
0x5c: {  	s29 =	sadd.s32 $0x700, s24;
	[sflag:s21] =	ssyncadd.s32 $0xFFFFC800  }
0x5d: {  	[tilespmem:s18], [sflag:$0x2] =	stream.linear.gather [hbm4b:s29+s4], $0x3800, $0x38;
	v63 =	vld [tilespmem:$0x0]  }
0x5e: {  	v5 =	vld [tilespmem:s31+$0x0];
	_ =	sdelay $0x4  }
0x5f: {  	vm14 =	vge.s32 v5, v0;
	vm15 =	vlt.s32 v5, v1  }
0x60: {  	v5 =	vsub.s32 v5, v0;
	vm0 =	vmand vm14, vm15  }
0x61: {  	v5 =	vnsel vm0, $0x3100, v5  }
0x62: {  	s28 =	sand.u32 $0x7E0, s28;
	[tilespmem:$0x700] =	vst v5  }
0x63: {  	v5 =	vld [tilespmem:s28+$0x80];
	_ =	sdelay $0x4  }
0x64: {  	vm4 =	vge.s32 v5, v0;
	vm5 =	vlt.s32 v5, v1  }
0x65: {  	v5 =	vsub.s32 v5, v0;
	vm0 =	vmand vm4, vm5  }
0x66: {  	v5 =	vnsel vm0, $0x3100, v5  }
0x67: {  	[tilespmem:$0x710] =	vst v5  }
0x68: {  	v5 =	vld [tilespmem:s31+$0x20];
	_ =	sdelay $0x4  }
0x69: {  	vm6 =	vge.s32 v5, v0;
	vm7 =	vlt.s32 v5, v1  }
0x6a: {  	v5 =	vsub.s32 v5, v0;
	vm0 =	vmand vm6, vm7  }
0x6b: {  	v5 =	vnsel vm0, $0x3100, v5  }
0x6c: {  	[tilespmem:$0x720] =	vst v5  }
0x6d: {  	v5 =	vld [tilespmem:s31+$0x30];
	_ =	sdelay $0x4  }
0x6e: {  	vm8 =	vge.s32 v5, v0;
	vm9 =	vlt.s32 v5, v1  }
0x6f: {  	v5 =	vsub.s32 v5, v0;
	vm0 =	vmand vm8, vm9  }
0x70: {  	v5 =	vnsel vm0, $0x3100, v5  }
0x71: {  	[tilespmem:$0x730] =	vst v5  }
0x72: {  	v5 =	vld [tilespmem:s31+$0x40];
	_ =	sdelay $0x4  }
0x73: {  	vm10 =	vge.s32 v5, v0;
	vm11 =	vlt.s32 v5, v1  }
0x74: {  	v5 =	vsub.s32 v5, v0;
	vm0 =	vmand vm10, vm11  }
0x75: {  	v5 =	vnsel vm0, $0x3100, v5  }
0x76: {  	[tilespmem:$0x740] =	vst v5  }
0x77: {  	v5 =	vld [tilespmem:s31+$0x50];
	_ =	sdelay $0x4  }
0x78: {  	vm12 =	vge.s32 v5, v0;
	vm13 =	vlt.s32 v5, v1  }
0x79: {  	v5 =	vsub.s32 v5, v0;
	vm0 =	vmand vm12, vm13  }
0x7a: {  	v5 =	vnsel vm0, $0x3100, v5  }
0x7b: {  	[tilespmem:$0x750] =	vst v5  }
0x7c: {  	v5 =	vld [tilespmem:s31+$0x60];
	_ =	sdelay $0x4  }
0x7d: {  	vm14 =	vge.s32 v5, v0;
	vm15 =	vlt.s32 v5, v1  }
0x7e: {  	v5 =	vsub.s32 v5, v0;
	vm0 =	vmand vm14, vm15  }
0x7f: {  	v5 =	vnsel vm0, $0x3100, v5  }
0x80: {  	[tilespmem:$0x760] =	vst v5  }
0x81: {  	_ =	swait.ge [sflag:s22], $0x3800  }
0x82: {  	s26 =	simm.s32 $0xE0;
	[sflag:s22] =	ssyncset.done $0x0  }
0x83: {  	s29 =	simm.s32 $0x150;
	s28 =	sadd.s32 $0xE00, s24;
	[sflag:s22] =	ssyncadd.s32 $0xFFFFC800  }
.LBB2_3:
0x84: {  	[spmem:s3] =	stream.indirect.scatter.add.f32 [tilespmem:s18], [sflag:$0x4], $0x80, s17, s14, $0xb8;
	v63 =	vld [tilespmem:$0x0]  }
0x85: {  	s30 =	smov.u32 s26  }
0x86: {  	p0 =	sne.s32 s26, $0x540;
	s26 =	sadd.s32 $0xE0, s26;
	_ =	swait.ge [sflag:s19], $0x3800  }
0x87: {  	[sflag:s19] =	ssyncset.done $0x0  }
0x88: {  	[sflag:s19] =	ssyncadd.s32 $0xFFFFC800  }
0x89: {  	[tilespmem:s16], [sflag:$0x1] =	stream.linear.gather [hbm4b:s28+s4], $0x3800, $0x38;
	v63 =	vld [tilespmem:$0x0]  }
0x8a: {  	v5 =	vld [tilespmem:s29+$0xFFFFFF90];
	_ =	sdelay $0x4  }
0x8b: {  	vm0 =	vge.s32 v5, v0;
	vm1 =	vlt.s32 v5, v1  }
0x8c: {  	v5 =	vsub.s32 v5, v0;
	vm0 =	vmand vm0, vm1  }
0x8d: {  	v5 =	vnsel vm0, $0x3100, v5  }
0x8e: {  	[tilespmem:$0x680] =	vst v5  }
0x8f: {  	v5 =	vld [tilespmem:s29+$0xFFFFFFA0];
	_ =	sdelay $0x4  }
0x90: {  	vm0 =	vge.s32 v5, v0;
	vm1 =	vlt.s32 v5, v1  }
0x91: {  	v5 =	vsub.s32 v5, v0;
	vm0 =	vmand vm0, vm1  }
0x92: {  	v5 =	vnsel vm0, $0x3100, v5  }
0x93: {  	[tilespmem:$0x690] =	vst v5  }
0x94: {  	v5 =	vld [tilespmem:s29+$0xFFFFFFB0];
	_ =	sdelay $0x4  }
0x95: {  	vm0 =	vge.s32 v5, v0;
	vm1 =	vlt.s32 v5, v1  }
0x96: {  	v5 =	vsub.s32 v5, v0;
	vm0 =	vmand vm0, vm1  }
0x97: {  	v5 =	vnsel vm0, $0x3100, v5  }
0x98: {  	[tilespmem:$0x6A0] =	vst v5  }
0x99: {  	v5 =	vld [tilespmem:s29+$0xFFFFFFC0];
	_ =	sdelay $0x4  }
0x9a: {  	vm0 =	vge.s32 v5, v0;
	vm1 =	vlt.s32 v5, v1  }
0x9b: {  	v5 =	vsub.s32 v5, v0;
	vm0 =	vmand vm0, vm1  }
0x9c: {  	v5 =	vnsel vm0, $0x3100, v5  }
0x9d: {  	[tilespmem:$0x6B0] =	vst v5  }
0x9e: {  	v5 =	vld [tilespmem:s29+$0xFFFFFFD0];
	_ =	sdelay $0x4  }
0x9f: {  	vm0 =	vge.s32 v5, v0;
	vm1 =	vlt.s32 v5, v1  }
0xa0: {  	v5 =	vsub.s32 v5, v0;
	vm0 =	vmand vm0, vm1  }
0xa1: {  	v5 =	vnsel vm0, $0x3100, v5  }
0xa2: {  	[tilespmem:$0x6C0] =	vst v5  }
0xa3: {  	v5 =	vld [tilespmem:s29+$0xFFFFFFE0];
	_ =	sdelay $0x4  }
0xa4: {  	vm0 =	vge.s32 v5, v0;
	vm1 =	vlt.s32 v5, v1  }
0xa5: {  	v5 =	vsub.s32 v5, v0;
	vm0 =	vmand vm0, vm1  }
0xa6: {  	v5 =	vnsel vm0, $0x3100, v5  }
0xa7: {  	[tilespmem:$0x6D0] =	vst v5  }
0xa8: {  	v5 =	vld [tilespmem:s29+$0xFFFFFFF0];
	_ =	sdelay $0x4  }
0xa9: {  	vm0 =	vge.s32 v5, v0;
	vm1 =	vlt.s32 v5, v1  }
0xaa: {  	v5 =	vsub.s32 v5, v0;
	vm0 =	vmand vm0, vm1  }
0xab: {  	v5 =	vnsel vm0, $0x3100, v5  }
0xac: {  	[tilespmem:$0x6E0] =	vst v5  }
0xad: {  	_ =	swait.ge [sflag:s20], $0x3800  }
0xae: {  	[sflag:s20] =	ssyncset.done $0x0  }
0xaf: {  	[sflag:s20] =	ssyncadd.s32 $0xFFFFC800  }
0xb0: {  	[spmem:s3] =	stream.indirect.scatter.add.f32 [tilespmem:s16], [sflag:$0x3], $0x80, s15, s14, $0xb8;
	v63 =	vld [tilespmem:$0x0]  }
0xb1: {  	_ =	swait.ge [sflag:s21], $0x3800  }
0xb2: {  	[sflag:s21] =	ssyncset.done $0x0  }
0xb3: {  	s31 =	sadd.s32 $0x700, s28;
	[sflag:s21] =	ssyncadd.s32 $0xFFFFC800  }
0xb4: {  	[tilespmem:s18], [sflag:$0x2] =	stream.linear.gather [hbm4b:s31+s4], $0x3800, $0x38;
	v63 =	vld [tilespmem:$0x0]  }
0xb5: {  	v5 =	vld [tilespmem:s29+$0x0];
	_ =	sdelay $0x4  }
0xb6: {  	vm0 =	vge.s32 v5, v0;
	vm1 =	vlt.s32 v5, v1  }
0xb7: {  	v5 =	vsub.s32 v5, v0;
	vm0 =	vmand vm0, vm1  }
0xb8: {  	v5 =	vnsel vm0, $0x3100, v5  }
0xb9: {  	s30 =	sand.u32 $0x7E0, s30;
	[tilespmem:$0x700] =	vst v5  }
0xba: {  	v5 =	vld [tilespmem:s30+$0x80];
	_ =	sdelay $0x4  }
0xbb: {  	vm0 =	vge.s32 v5, v0;
	vm1 =	vlt.s32 v5, v1  }
0xbc: {  	v5 =	vsub.s32 v5, v0;
	vm0 =	vmand vm0, vm1  }
0xbd: {  	v5 =	vnsel vm0, $0x3100, v5  }
0xbe: {  	[tilespmem:$0x710] =	vst v5  }
0xbf: {  	v5 =	vld [tilespmem:s29+$0x20];
	_ =	sdelay $0x4  }
0xc0: {  	vm0 =	vge.s32 v5, v0;
	vm1 =	vlt.s32 v5, v1  }
0xc1: {  	v5 =	vsub.s32 v5, v0;
	vm0 =	vmand vm0, vm1  }
0xc2: {  	v5 =	vnsel vm0, $0x3100, v5  }
0xc3: {  	[tilespmem:$0x720] =	vst v5  }
0xc4: {  	v5 =	vld [tilespmem:s29+$0x30];
	_ =	sdelay $0x4  }
0xc5: {  	vm0 =	vge.s32 v5, v0;
	vm1 =	vlt.s32 v5, v1  }
0xc6: {  	v5 =	vsub.s32 v5, v0;
	vm0 =	vmand vm0, vm1  }
0xc7: {  	v5 =	vnsel vm0, $0x3100, v5  }
0xc8: {  	[tilespmem:$0x730] =	vst v5  }
0xc9: {  	v5 =	vld [tilespmem:s29+$0x40];
	_ =	sdelay $0x4  }
0xca: {  	vm0 =	vge.s32 v5, v0;
	vm1 =	vlt.s32 v5, v1  }
0xcb: {  	v5 =	vsub.s32 v5, v0;
	vm0 =	vmand vm0, vm1  }
0xcc: {  	v5 =	vnsel vm0, $0x3100, v5  }
0xcd: {  	[tilespmem:$0x740] =	vst v5  }
0xce: {  	v5 =	vld [tilespmem:s29+$0x50];
	_ =	sdelay $0x4  }
0xcf: {  	vm0 =	vge.s32 v5, v0;
	vm1 =	vlt.s32 v5, v1  }
0xd0: {  	v5 =	vsub.s32 v5, v0;
	vm0 =	vmand vm0, vm1  }
0xd1: {  	v5 =	vnsel vm0, $0x3100, v5  }
0xd2: {  	[tilespmem:$0x750] =	vst v5  }
0xd3: {  	v5 =	vld [tilespmem:s29+$0x60];
	_ =	sdelay $0x4  }
0xd4: {  	vm0 =	vge.s32 v5, v0;
	vm1 =	vlt.s32 v5, v1  }
0xd5: {  	v5 =	vsub.s32 v5, v0;
	vm0 =	vmand vm0, vm1  }
.Ltmp0:
0xd6: {  	v5 =	vnsel vm0, $0x3100, v5;
	(pc) =	sbr.rel @p0 .LBB2_3-.Ltmp0, $4  }
0xd7: {  	[tilespmem:$0x760] =	vst v5  }
0xd8: {  	_ =	swait.ge [sflag:s22], $0x3800  }
0xd9: {  	[sflag:s22] =	ssyncset.done $0x0  }
0xda: {  	s28 =	sadd.s32 $0xE00, s28;
	s29 =	sadd.s32 $0xE0, s29;
	[sflag:s22] =	ssyncadd.s32 $0xFFFFC800  }
0xdb: {  	s25 =	sadd.s32 $0x1, s25  }
0xdc: {  	p0 =	sne.s32 s25, $0x19  }
.Ltmp1:
0xdd: {  	_ = 	snop;
	(pc) =	sbr.rel @p0 .LBB2_2-.Ltmp1, $3  }
0xde: {  	_ =	sdelay $0x1  }
0xdf: {  	[spmem:s3] =	stream.indirect.scatter.add.f32 [tilespmem:s18], [sflag:$0x4], $0x80, s17, s14, $0xb8;
	v63 =	vld [tilespmem:$0x0]  }
0xe0: {  	s24 =	sadd.s32 $0x6200, s24  }
0xe1: {  	_ =	swait.ge [sflag:s19], $0x3800  }
0xe2: {  	[sflag:s19] =	ssyncset.done $0x0  }
0xe3: {  	[sflag:s19] =	ssyncadd.s32 $0xFFFFC800  }
0xe4: {  	_ =	swait.ge [sflag:s21], $0x3800  }
0xe5: {  	[sflag:s21] =	ssyncset.done $0x0  }
0xe6: {  	[sflag:s21] =	ssyncadd.s32 $0xFFFFC800  }
0xe7: {  	[bflag:$0x0] =	sbarrier.arrive $0xFFFF  }
0xe8: {  	[hbm:s8], [sflag:s7] =	dma.local [spmem:s12], $0x3100  }
0xe9: {  	_ =	swait.ge [sflag:s13], $0x3100  }
0xea: {  	[sflag:s13] =	ssyncset.done $0x0  }
0xeb: {  	[sflag:s13] =	ssyncadd.s32 $0xFFFFCF00  }
0xec: {  	[bflag:$0x0] =	sbarrier.arrive $0xFFFF  }
0xed: {  	[spmem:s12], [sflag:s7] =	dma.local [hbm:s2], $0x3100  }
0xee: {  	_ =	swait.ge [sflag:s13], $0x3100  }
0xef: {  	[sflag:s13] =	ssyncset.done $0x0  }
0xf0: {  	[sflag:s13] =	ssyncadd.s32 $0xFFFFCF00  }
0xf1: {  	[bflag:$0x0] =	sbarrier.arrive $0xFFFF  }
0xf2: {  	[tilespmem:$0x680] =	vst v4  }
0xf3: {  	[tilespmem:$0x690] =	vst v4  }
0xf4: {  	[tilespmem:$0x6A0] =	vst v4  }
0xf5: {  	[tilespmem:$0x6B0] =	vst v4  }
0xf6: {  	[tilespmem:$0x6C0] =	vst v4  }
0xf7: {  	[tilespmem:$0x6D0] =	vst v4  }
0xf8: {  	[tilespmem:$0x6E0] =	vst v4  }
0xf9: {  	[spmem:s3] =	stream.indirect.scatter.add.f32 [tilespmem:s16], [sflag:$0x3], $0x80, s15, s14, $0xb8;
	v63 =	vld [tilespmem:$0x0]  }
0xfa: {  	[tilespmem:$0x700] =	vst v4  }
0xfb: {  	[tilespmem:$0x710] =	vst v4  }
0xfc: {  	[tilespmem:$0x720] =	vst v4  }
0xfd: {  	[tilespmem:$0x730] =	vst v4  }
0xfe: {  	[tilespmem:$0x740] =	vst v4  }
0xff: {  	[tilespmem:$0x750] =	vst v4  }
0x100: {  	s24 =	simm.s32 $0x0;
	s25 =	smov.u32 s11;
	s26 =	simm.s32 $0x0;
	[tilespmem:$0x760] =	vst v4  }
0x101: {  	[spmem:s3] =	stream.indirect.scatter.add.f32 [tilespmem:s18], [sflag:$0x4], $0x80, s17, s14, $0xb8;
	v63 =	vld [tilespmem:$0x0]  }
.LBB2_6:
0x102: {  	s28 =	smul.u32 $0x620, s26;
	_ =	sdelay $0x1  }
0x103: {  	s28 =	sadd.s32 s6, s28  }
0x104: {  	s28 =	sshrl.u32 s28, $0x3  }
0x105: {  	s28 =	sadd.s32 s5, s28  }
0x106: {  	[tilespmem:s24], [sflag:$0x5] =	stream.linear.gather [hbm4b:s28+s24], $0x620, $0x38;
	v63 =	vld [tilespmem:$0x0]  }
0x107: {  	_ =	swait.ge [sflag:s13], $0x620  }
0x108: {  	[sflag:s13] =	ssyncset.done $0x0  }
0x109: {  	[sflag:s13] =	ssyncadd.s32 $0xFFFFF9E0  }
0x10a: {  	_ =	swait.ge [sflag:s19], $0x3800  }
0x10b: {  	[sflag:s19] =	ssyncset.done $0x0  }
0x10c: {  	s28 =	simm.s32 $0x70;
	[sflag:s19] =	ssyncadd.s32 $0xFFFFC800  }
0x10d: {  	[tilespmem:s16], [sflag:$0x1] =	stream.linear.gather [hbm4b:s25+s4], $0x3800, $0x38;
	v63 =	vld [tilespmem:$0x0]  }
0x10e: {  	v5 =	vld [tilespmem:s28+$0xFFFFFF90];
	_ =	sdelay $0x4  }
0x10f: {  	vm0 =	vge.s32 v5, v2;
	vm1 =	vlt.s32 v5, v3  }
0x110: {  	v5 =	vsub.s32 v5, v2;
	vm0 =	vmand vm0, vm1  }
0x111: {  	v5 =	vnsel vm0, $0x3100, v5  }
0x112: {  	[tilespmem:$0x680] =	vst v5  }
0x113: {  	v5 =	vld [tilespmem:s28+$0xFFFFFFA0];
	_ =	sdelay $0x4  }
0x114: {  	vm14 =	vge.s32 v5, v2;
	vm15 =	vlt.s32 v5, v3  }
0x115: {  	v5 =	vsub.s32 v5, v2;
	vm0 =	vmand vm14, vm15  }
0x116: {  	v5 =	vnsel vm0, $0x3100, v5  }
0x117: {  	[tilespmem:$0x690] =	vst v5  }
0x118: {  	v5 =	vld [tilespmem:s28+$0xFFFFFFB0];
	_ =	sdelay $0x4  }
0x119: {  	vm4 =	vge.s32 v5, v2;
	vm5 =	vlt.s32 v5, v3  }
0x11a: {  	v5 =	vsub.s32 v5, v2;
	vm0 =	vmand vm4, vm5  }
0x11b: {  	v5 =	vnsel vm0, $0x3100, v5  }
0x11c: {  	[tilespmem:$0x6A0] =	vst v5  }
0x11d: {  	v5 =	vld [tilespmem:s28+$0xFFFFFFC0];
	_ =	sdelay $0x4  }
0x11e: {  	vm6 =	vge.s32 v5, v2;
	vm7 =	vlt.s32 v5, v3  }
0x11f: {  	v5 =	vsub.s32 v5, v2;
	vm0 =	vmand vm6, vm7  }
0x120: {  	v5 =	vnsel vm0, $0x3100, v5  }
0x121: {  	[tilespmem:$0x6B0] =	vst v5  }
0x122: {  	v5 =	vld [tilespmem:s28+$0xFFFFFFD0];
	_ =	sdelay $0x4  }
0x123: {  	vm8 =	vge.s32 v5, v2;
	vm9 =	vlt.s32 v5, v3  }
0x124: {  	v5 =	vsub.s32 v5, v2;
	vm0 =	vmand vm8, vm9  }
0x125: {  	v5 =	vnsel vm0, $0x3100, v5  }
0x126: {  	[tilespmem:$0x6C0] =	vst v5  }
0x127: {  	v5 =	vld [tilespmem:s28+$0xFFFFFFE0];
	_ =	sdelay $0x4  }
0x128: {  	vm10 =	vge.s32 v5, v2;
	vm11 =	vlt.s32 v5, v3  }
0x129: {  	v5 =	vsub.s32 v5, v2;
	vm0 =	vmand vm10, vm11  }
0x12a: {  	v5 =	vnsel vm0, $0x3100, v5  }
0x12b: {  	[tilespmem:$0x6D0] =	vst v5  }
0x12c: {  	v5 =	vld [tilespmem:s28+$0xFFFFFFF0];
	_ =	sdelay $0x4  }
0x12d: {  	vm12 =	vge.s32 v5, v2;
	vm13 =	vlt.s32 v5, v3  }
0x12e: {  	v5 =	vsub.s32 v5, v2;
	vm0 =	vmand vm12, vm13  }
0x12f: {  	v5 =	vnsel vm0, $0x3100, v5  }
0x130: {  	[tilespmem:$0x6E0] =	vst v5  }
0x131: {  	_ =	swait.ge [sflag:s20], $0x3800  }
0x132: {  	[sflag:s20] =	ssyncset.done $0x0  }
0x133: {  	[sflag:s20] =	ssyncadd.s32 $0xFFFFC800  }
0x134: {  	[spmem:s3] =	stream.indirect.scatter.add.f32 [tilespmem:s16], [sflag:$0x3], $0x80, s15, s14, $0xb8;
	v63 =	vld [tilespmem:$0x0]  }
0x135: {  	_ =	swait.ge [sflag:s21], $0x3800  }
0x136: {  	[sflag:s21] =	ssyncset.done $0x0  }
0x137: {  	s29 =	sadd.s32 $0x700, s25;
	[sflag:s21] =	ssyncadd.s32 $0xFFFFC800  }
0x138: {  	[tilespmem:s18], [sflag:$0x2] =	stream.linear.gather [hbm4b:s29+s4], $0x3800, $0x38;
	v63 =	vld [tilespmem:$0x0]  }
0x139: {  	v5 =	vld [tilespmem:s28+$0x0];
	_ =	sdelay $0x4  }
0x13a: {  	vm14 =	vge.s32 v5, v2;
	vm15 =	vlt.s32 v5, v3  }
0x13b: {  	v5 =	vsub.s32 v5, v2;
	vm0 =	vmand vm14, vm15  }
0x13c: {  	v5 =	vnsel vm0, $0x3100, v5  }
0x13d: {  	s29 =	sand.u32 $0x7E0, s24;
	[tilespmem:$0x700] =	vst v5  }
0x13e: {  	v5 =	vld [tilespmem:s29+$0x80];
	_ =	sdelay $0x4  }
0x13f: {  	vm4 =	vge.s32 v5, v2;
	vm5 =	vlt.s32 v5, v3  }
0x140: {  	v5 =	vsub.s32 v5, v2;
	vm0 =	vmand vm4, vm5  }
0x141: {  	v5 =	vnsel vm0, $0x3100, v5  }
0x142: {  	[tilespmem:$0x710] =	vst v5  }
0x143: {  	v5 =	vld [tilespmem:s28+$0x20];
	_ =	sdelay $0x4  }
0x144: {  	vm6 =	vge.s32 v5, v2;
	vm7 =	vlt.s32 v5, v3  }
0x145: {  	v5 =	vsub.s32 v5, v2;
	vm0 =	vmand vm6, vm7  }
0x146: {  	v5 =	vnsel vm0, $0x3100, v5  }
0x147: {  	[tilespmem:$0x720] =	vst v5  }
0x148: {  	v5 =	vld [tilespmem:s28+$0x30];
	_ =	sdelay $0x4  }
0x149: {  	vm8 =	vge.s32 v5, v2;
	vm9 =	vlt.s32 v5, v3  }
0x14a: {  	v5 =	vsub.s32 v5, v2;
	vm0 =	vmand vm8, vm9  }
0x14b: {  	v5 =	vnsel vm0, $0x3100, v5  }
0x14c: {  	[tilespmem:$0x730] =	vst v5  }
0x14d: {  	v5 =	vld [tilespmem:s28+$0x40];
	_ =	sdelay $0x4  }
0x14e: {  	vm10 =	vge.s32 v5, v2;
	vm11 =	vlt.s32 v5, v3  }
0x14f: {  	v5 =	vsub.s32 v5, v2;
	vm0 =	vmand vm10, vm11  }
0x150: {  	v5 =	vnsel vm0, $0x3100, v5  }
0x151: {  	[tilespmem:$0x740] =	vst v5  }
0x152: {  	v5 =	vld [tilespmem:s28+$0x50];
	_ =	sdelay $0x4  }
0x153: {  	vm12 =	vge.s32 v5, v2;
	vm13 =	vlt.s32 v5, v3  }
0x154: {  	v5 =	vsub.s32 v5, v2;
	vm0 =	vmand vm12, vm13  }
0x155: {  	v5 =	vnsel vm0, $0x3100, v5  }
0x156: {  	[tilespmem:$0x750] =	vst v5  }
0x157: {  	v5 =	vld [tilespmem:s28+$0x60];
	_ =	sdelay $0x4  }
0x158: {  	vm14 =	vge.s32 v5, v2;
	vm15 =	vlt.s32 v5, v3  }
0x159: {  	v5 =	vsub.s32 v5, v2;
	vm0 =	vmand vm14, vm15  }
0x15a: {  	v5 =	vnsel vm0, $0x3100, v5  }
0x15b: {  	[tilespmem:$0x760] =	vst v5  }
0x15c: {  	_ =	swait.ge [sflag:s22], $0x3800  }
0x15d: {  	s30 =	simm.s32 $0x150;
	[sflag:s22] =	ssyncset.done $0x0  }
0x15e: {  	s29 =	sadd.s32 $0xE00, s25;
	s28 =	simm.s32 $0xE0;
	[sflag:s22] =	ssyncadd.s32 $0xFFFFC800  }
.LBB2_7:
0x15f: {  	[spmem:s3] =	stream.indirect.scatter.add.f32 [tilespmem:s18], [sflag:$0x4], $0x80, s17, s14, $0xb8;
	v63 =	vld [tilespmem:$0x0]  }
0x160: {  	s31 =	smov.u32 s28  }
0x161: {  	p0 =	sne.s32 s28, $0x540;
	s28 =	sadd.s32 $0xE0, s28;
	_ =	swait.ge [sflag:s19], $0x3800  }
0x162: {  	[sflag:s19] =	ssyncset.done $0x0  }
0x163: {  	[sflag:s19] =	ssyncadd.s32 $0xFFFFC800  }
0x164: {  	[tilespmem:s16], [sflag:$0x1] =	stream.linear.gather [hbm4b:s29+s4], $0x3800, $0x38;
	v63 =	vld [tilespmem:$0x0]  }
0x165: {  	v5 =	vld [tilespmem:s30+$0xFFFFFF90];
	_ =	sdelay $0x4  }
0x166: {  	vm0 =	vge.s32 v5, v2;
	vm1 =	vlt.s32 v5, v3  }
0x167: {  	v5 =	vsub.s32 v5, v2;
	vm0 =	vmand vm0, vm1  }
0x168: {  	v5 =	vnsel vm0, $0x3100, v5  }
0x169: {  	[tilespmem:$0x680] =	vst v5  }
0x16a: {  	v5 =	vld [tilespmem:s30+$0xFFFFFFA0];
	_ =	sdelay $0x4  }
0x16b: {  	vm0 =	vge.s32 v5, v2;
	vm1 =	vlt.s32 v5, v3  }
0x16c: {  	v5 =	vsub.s32 v5, v2;
	vm0 =	vmand vm0, vm1  }
0x16d: {  	v5 =	vnsel vm0, $0x3100, v5  }
0x16e: {  	[tilespmem:$0x690] =	vst v5  }
0x16f: {  	v5 =	vld [tilespmem:s30+$0xFFFFFFB0];
	_ =	sdelay $0x4  }
0x170: {  	vm0 =	vge.s32 v5, v2;
	vm1 =	vlt.s32 v5, v3  }
0x171: {  	v5 =	vsub.s32 v5, v2;
	vm0 =	vmand vm0, vm1  }
0x172: {  	v5 =	vnsel vm0, $0x3100, v5  }
0x173: {  	[tilespmem:$0x6A0] =	vst v5  }
0x174: {  	v5 =	vld [tilespmem:s30+$0xFFFFFFC0];
	_ =	sdelay $0x4  }
0x175: {  	vm0 =	vge.s32 v5, v2;
	vm1 =	vlt.s32 v5, v3  }
0x176: {  	v5 =	vsub.s32 v5, v2;
	vm0 =	vmand vm0, vm1  }
0x177: {  	v5 =	vnsel vm0, $0x3100, v5  }
0x178: {  	[tilespmem:$0x6B0] =	vst v5  }
0x179: {  	v5 =	vld [tilespmem:s30+$0xFFFFFFD0];
	_ =	sdelay $0x4  }
0x17a: {  	vm0 =	vge.s32 v5, v2;
	vm1 =	vlt.s32 v5, v3  }
0x17b: {  	v5 =	vsub.s32 v5, v2;
	vm0 =	vmand vm0, vm1  }
0x17c: {  	v5 =	vnsel vm0, $0x3100, v5  }
0x17d: {  	[tilespmem:$0x6C0] =	vst v5  }
0x17e: {  	v5 =	vld [tilespmem:s30+$0xFFFFFFE0];
	_ =	sdelay $0x4  }
0x17f: {  	vm0 =	vge.s32 v5, v2;
	vm1 =	vlt.s32 v5, v3  }
0x180: {  	v5 =	vsub.s32 v5, v2;
	vm0 =	vmand vm0, vm1  }
0x181: {  	v5 =	vnsel vm0, $0x3100, v5  }
0x182: {  	[tilespmem:$0x6D0] =	vst v5  }
0x183: {  	v5 =	vld [tilespmem:s30+$0xFFFFFFF0];
	_ =	sdelay $0x4  }
0x184: {  	vm0 =	vge.s32 v5, v2;
	vm1 =	vlt.s32 v5, v3  }
0x185: {  	v5 =	vsub.s32 v5, v2;
	vm0 =	vmand vm0, vm1  }
0x186: {  	v5 =	vnsel vm0, $0x3100, v5  }
0x187: {  	[tilespmem:$0x6E0] =	vst v5  }
0x188: {  	_ =	swait.ge [sflag:s20], $0x3800  }
0x189: {  	[sflag:s20] =	ssyncset.done $0x0  }
0x18a: {  	[sflag:s20] =	ssyncadd.s32 $0xFFFFC800  }
0x18b: {  	[spmem:s3] =	stream.indirect.scatter.add.f32 [tilespmem:s16], [sflag:$0x3], $0x80, s15, s14, $0xb8;
	v63 =	vld [tilespmem:$0x0]  }
0x18c: {  	_ =	swait.ge [sflag:s21], $0x3800  }
0x18d: {  	[sflag:s21] =	ssyncset.done $0x0  }
0x18e: {  	s0 =	sadd.s32 $0x700, s29;
	[sflag:s21] =	ssyncadd.s32 $0xFFFFC800  }
0x18f: {  	[tilespmem:s18], [sflag:$0x2] =	stream.linear.gather [hbm4b:s0+s4], $0x3800, $0x38;
	v63 =	vld [tilespmem:$0x0]  }
0x190: {  	v5 =	vld [tilespmem:s30+$0x0];
	_ =	sdelay $0x4  }
0x191: {  	vm0 =	vge.s32 v5, v2;
	vm1 =	vlt.s32 v5, v3  }
0x192: {  	v5 =	vsub.s32 v5, v2;
	vm0 =	vmand vm0, vm1  }
0x193: {  	v5 =	vnsel vm0, $0x3100, v5  }
0x194: {  	s0 =	sand.u32 $0x7E0, s31;
	[tilespmem:$0x700] =	vst v5  }
0x195: {  	v5 =	vld [tilespmem:s0+$0x80];
	_ =	sdelay $0x4  }
0x196: {  	vm0 =	vge.s32 v5, v2;
	vm1 =	vlt.s32 v5, v3  }
0x197: {  	v5 =	vsub.s32 v5, v2;
	vm0 =	vmand vm0, vm1  }
0x198: {  	v5 =	vnsel vm0, $0x3100, v5  }
0x199: {  	[tilespmem:$0x710] =	vst v5  }
0x19a: {  	v5 =	vld [tilespmem:s30+$0x20];
	_ =	sdelay $0x4  }
0x19b: {  	vm0 =	vge.s32 v5, v2;
	vm1 =	vlt.s32 v5, v3  }
0x19c: {  	v5 =	vsub.s32 v5, v2;
	vm0 =	vmand vm0, vm1  }
0x19d: {  	v5 =	vnsel vm0, $0x3100, v5  }
0x19e: {  	[tilespmem:$0x720] =	vst v5  }
0x19f: {  	v5 =	vld [tilespmem:s30+$0x30];
	_ =	sdelay $0x4  }
0x1a0: {  	vm0 =	vge.s32 v5, v2;
	vm1 =	vlt.s32 v5, v3  }
0x1a1: {  	v5 =	vsub.s32 v5, v2;
	vm0 =	vmand vm0, vm1  }
0x1a2: {  	v5 =	vnsel vm0, $0x3100, v5  }
0x1a3: {  	[tilespmem:$0x730] =	vst v5  }
0x1a4: {  	v5 =	vld [tilespmem:s30+$0x40];
	_ =	sdelay $0x4  }
0x1a5: {  	vm0 =	vge.s32 v5, v2;
	vm1 =	vlt.s32 v5, v3  }
0x1a6: {  	v5 =	vsub.s32 v5, v2;
	vm0 =	vmand vm0, vm1  }
0x1a7: {  	v5 =	vnsel vm0, $0x3100, v5  }
0x1a8: {  	[tilespmem:$0x740] =	vst v5  }
0x1a9: {  	v5 =	vld [tilespmem:s30+$0x50];
	_ =	sdelay $0x4  }
0x1aa: {  	vm0 =	vge.s32 v5, v2;
	vm1 =	vlt.s32 v5, v3  }
0x1ab: {  	v5 =	vsub.s32 v5, v2;
	vm0 =	vmand vm0, vm1  }
0x1ac: {  	v5 =	vnsel vm0, $0x3100, v5  }
0x1ad: {  	[tilespmem:$0x750] =	vst v5  }
0x1ae: {  	v5 =	vld [tilespmem:s30+$0x60];
	_ =	sdelay $0x4  }
0x1af: {  	vm0 =	vge.s32 v5, v2;
	vm1 =	vlt.s32 v5, v3  }
0x1b0: {  	v5 =	vsub.s32 v5, v2;
	vm0 =	vmand vm0, vm1  }
.Ltmp2:
0x1b1: {  	v5 =	vnsel vm0, $0x3100, v5;
	(pc) =	sbr.rel @p0 .LBB2_7-.Ltmp2, $4  }
0x1b2: {  	[tilespmem:$0x760] =	vst v5  }
0x1b3: {  	_ =	swait.ge [sflag:s22], $0x3800  }
0x1b4: {  	[sflag:s22] =	ssyncset.done $0x0  }
0x1b5: {  	s29 =	sadd.s32 $0xE00, s29;
	s30 =	sadd.s32 $0xE0, s30;
	[sflag:s22] =	ssyncadd.s32 $0xFFFFC800  }
0x1b6: {  	s26 =	sadd.s32 $0x1, s26  }
0x1b7: {  	p0 =	sne.s32 s26, $0x19  }
.Ltmp3:
0x1b8: {  	_ = 	snop;
	(pc) =	sbr.rel @p0 .LBB2_6-.Ltmp3, $3  }
0x1b9: {  	_ =	sdelay $0x1  }
0x1ba: {  	[spmem:s3] =	stream.indirect.scatter.add.f32 [tilespmem:s18], [sflag:$0x4], $0x80, s17, s14, $0xb8;
	v63 =	vld [tilespmem:$0x0]  }
0x1bb: {  	s25 =	sadd.s32 $0x6200, s25  }
0x1bc: {  	_ =	swait.ge [sflag:s19], $0x3800  }
0x1bd: {  	[sflag:s19] =	ssyncset.done $0x0  }
0x1be: {  	[sflag:s19] =	ssyncadd.s32 $0xFFFFC800  }
0x1bf: {  	_ =	swait.ge [sflag:s21], $0x3800  }
0x1c0: {  	[sflag:s21] =	ssyncset.done $0x0  }
0x1c1: {  	s23 =	sadd.s32 $0x1, s23;
	[sflag:s21] =	ssyncadd.s32 $0xFFFFC800  }
0x1c2: {  	p0 =	sne.s32 s23, s10;
	[bflag:$0x0] =	sbarrier.arrive $0xFFFF  }
0x1c3: {  	[hbm:s9], [sflag:s7] =	dma.local [spmem:s12], $0x3100  }
.Ltmp4:
0x1c4: {  	_ =	swait.ge [sflag:s13], $0x3100;
	(pc) =	sbr.rel @p0 .LBB2_1-.Ltmp4, $3  }
0x1c5: {  	[sflag:s13] =	ssyncset.done $0x0  }
0x1c6: {  	[sflag:s13] =	ssyncadd.s32 $0xFFFFCF00  }
0x1c7: {  	[bflag:$0x0] =	sbarrier.arrive $0xFFFF;
	_ =	sdelay $0x1  }
0x1c8: {  	_ =	sfence.sel $0x180000  }
0x1c9: {  	[bflag:$0x0] =	sbarrier.arrive $0xFFFF  }
0x1ca: {  	_ =	strace $0x9000004A  }
0x1cb: {  	[bflag:$0x2] =	sbarrier.arrive $0xFFFF  }
0x1cc: {  	p0 =	sne.s32 s1, $0x0;
	s0 =	rddreg [dreg:$0x3]  }
0x1cd: {  	s0 =	sadd.s32 @!p0 $0x100000, s0  }
0x1ce: {  	[sflag:s0] =	ssyncadd.tile.s32 @!p0 $0x1;
	_ =	shalt  }
.Lfunc_end2:
_tile_overlayer_lowered:
.L_overlay_start_2:
0x1cf: {  	(tag) =	ssettag $0x2  }
0x1d0: {  	s0 =	rddreg [dreg:$0x0];
	s2 =	stileid.u32  }
0x1d1: {  	s1 =	rddreg [dreg:$0x1];
	p0 =	sne.s32 s2, $0x0  }
0x1d2: {  	s3 =	rddreg [dreg:$0x2];
	[bflag:$0x3] =	sbarrier.arrive $0xFFFF;
	s2 =	simm.s32 @!p0 $0x1C05  }
0x1d3: {  	[timem:s3], [sflag:s2] =	dma.local @!p0 [hbm:s0], s1  }
0x1d4: {  	s0 =	simm.s32 @!p0 $0x5  }
0x1d5: {  	_ =	swait.ge @!p0 [sflag:s0], s1  }
0x1d6: {  	s1 =	ssub.s32 @!p0 $0x0, s1;
	[sflag:s0] =	ssyncset.done @!p0 $0x0  }
0x1d7: {  	[sflag:s0] =	ssyncadd.s32 @!p0 s1  }
0x1d8: {  	[bflag:$0x3] =	sbarrier.arrive $0xFFFF  }
0x1d9: {  	_ =	shalt  }

// kernel: kernel.7.cloned.1.call-start
scs
__scs_entry_jumppad:
0x0: {  	(pc) =	sbr.rel $0x88, $3  }
0x1: {  	(tag) =	ssettag $0x0;
	lr =	simm.s32 $0x1  }
0x2: {  	[smem:$0x3F9C] =	sst lr;
	_ =	strace $0xD0000000  }
0x3: {  	_ = 	snop  }
0x4: {  	_ = 	snop  }
0x5: {  	_ = 	snop  }
0x6: {  	_ = 	snop  }
0x7: {  	_ = 	snop  }
__scs_overlays_trampoline_lowered:
0x8: {  	[smem:$0x3FAB] =	sst s0  }
0x9: {  	[smem:$0x3FAC] =	sst s1  }
0xa: {  	[smem:$0x3FAD] =	sst s2  }
0xb: {  	[smem:$0x3FAE] =	sst s3  }
0xc: {  	[smem:$0x3FAF] =	sst s4  }
0xd: {  	[smem:$0x3FB0] =	sst s5  }
0xe: {  	[smem:$0x3FB1] =	sst s6  }
0xf: {  	[smem:$0x3FB2] =	sst s7  }
0x10: {  	[smem:$0x3FB3] =	sst s8  }
0x11: {  	[smem:$0x3FB4] =	sst s9;
	s0 =	simm.s32 @!p0 $0x0  }
0x12: {  	s1 =	sld [smem:$0x3F9A];
	s0 =	simm.s32 @p0 $0x1  }
0x13: {  	[smem:$0x3FB5] =	sst s0;
	s0 =	simm.s32 @!p1 $0x0  }
0x14: {  	s2 =	sld [smem:$0x3F99];
	s0 =	simm.s32 @p1 $0x1  }
0x15: {  	[smem:$0x3FB6] =	sst s0;
	s0 =	simm.s32 @!p2 $0x0  }
0x16: {  	s3 =	sld [smem:$0x3FDB];
	s0 =	simm.s32 @p2 $0x1  }
0x17: {  	s4 =	simm.s32 $0x1BF5;
	[smem:$0x3FB8] =	sst s0  }
0x18: {  	s0 =	sld [smem:$0x3F9B];
	_ =	swait.ge [sflag:s4], $0x0  }
0x19: {  	s7 =	sld [smem:$0x3F9C]  }
0x1a: {  	s8 =	sadd.s32 $0xFFFFE003, lr  }
0x1b: {  	s9 =	sadd.s32 $0xFFFFFEF7, lr;
	s5 =	simm.s32 $0xFFFFFFFF;
	p2 =	slt.u32 s8, $0xFFFFF086  }
0x1c: {  	p1 =	slt.u32 s9, $0xF7A;
	s5 =	simm.s32 @!p2 $0x0  }
0x1d: {  	s5 =	simm.s32 @p1 $0x1;
	p0 =	seq.s32 s7, s2  }
0x1e: {  	s7 =	smul.u32 @!p0 $0xF7A, s2;
	p2 =	seq.s32 @!p0 s5, $0x0  }
0x1f: {  	s9 =	smul.u32 $0xF7A, s1;
	s8 =	simm.s32 @!p0 $0x1BF5;
	p2 =	por !p2, p0  }
0x20: {  	[sflag:s8] =	ssyncset.s32 @!p0 $0xFFFFF086;
	s6 =	sadd.s32 @!p0 s3, s7;
	s7 =	simm.s32 @!p0 $0x108  }
0x21: {  	s3 =	sadd.s32 s3, s9;
	s6 =	sadd.s32 @!p0 $0x88, s6;
	s7 =	simm.s32 @p2 $0x1082  }
0x22: {  	[simem:s7], [sflag:s8] =	dma.local @!p0 [hbm:s6], $0xF7A  }
0x23: {  	s9 =	sor.u32 $0xD0000000, s2;
	s6 =	simm.s32 $0x108;
	_ =	swait.ge @!p0 [sflag:s8], $0x0  }
0x24: {  	s3 =	sadd.s32 $0x88, s3;
	s6 =	simm.s32 @!p1 $0x1082;
	[sflag:s4] =	ssyncset.s32 $0xFFFFF086  }
0x25: {  	[simem:s6], [sflag:s4] =	dma.local [hbm:s3], $0xF7A  }
0x26: {  	[smem:$0x3F9C] =	sst s1;
	(tag) =	ssettag s2;
	_ =	strace s9  }
0x27: {  	s1 =	sld [smem:$0x3FAC]  }
0x28: {  	s2 =	sld [smem:$0x3FAD]  }
0x29: {  	s4 =	sld [smem:$0x3FAF]  }
0x2a: {  	p0 =	seq.s32 s5, $0x0;
	s5 =	sld [smem:$0x3FB0]  }
0x2b: {  	s6 =	sld [smem:$0x3FB1]  }
0x2c: {  	s7 =	sld [smem:$0x3FB2]  }
0x2d: {  	s3 =	simm.s32 $0x108;
	s8 =	sld [smem:$0x3FB3]  }
0x2e: {  	s3 =	simm.s32 @!p0 $0x1082;
	s9 =	sld [smem:$0x3FB4]  }
0x2f: {  	lr =	sadd.s32 s0, s3;
	s0 =	sld [smem:$0x3FAB]  }
0x30: {  	s3 =	sld [smem:$0x3FAE]  }
0x31: {  	[smem:$0x3FB7] =	sst s10  }
0x32: {  	s10 =	sld [smem:$0x3FB5];
	_ =	sdelay $0x3  }
0x33: {  	p0 =	seq.s32 s10, $0x1;
	s10 =	sld [smem:$0x3FB7];
	_ =	sdelay $0x3  }
0x34: {  	[smem:$0x3FB7] =	sst s10  }
0x35: {  	s10 =	sld [smem:$0x3FB6];
	_ =	sdelay $0x3  }
0x36: {  	p1 =	seq.s32 s10, $0x1;
	s10 =	sld [smem:$0x3FB7];
	_ =	sdelay $0x3  }
0x37: {  	[smem:$0x3FB7] =	sst s10  }
0x38: {  	s10 =	sld [smem:$0x3FB8]  }
0x39: {  	_ = 	snop;
	(pc) =	sbr.ind lr, $3  }
0x3a: {  	_ = 	snop  }
0x3b: {  	_ = 	snop  }
0x3c: {  	p2 =	seq.s32 s10, $0x1;
	s10 =	sld [smem:$0x3FB7]  }
0x3d: {  	_ =	shalt  }
0x3e: {  	_ =	shalt  }
0x3f: {  	_ =	shalt  }
0x40: {  	_ =	shalt  }
0x41: {  	_ =	shalt  }
0x42: {  	_ =	shalt  }
0x43: {  	_ =	shalt  }
0x44: {  	_ =	shalt  }
0x45: {  	_ =	shalt  }
0x46: {  	_ =	shalt  }
0x47: {  	_ =	shalt  }
0x48: {  	_ =	shalt  }
0x49: {  	_ =	shalt  }
0x4a: {  	_ =	shalt  }
0x4b: {  	_ =	shalt  }
0x4c: {  	_ =	shalt  }
0x4d: {  	_ =	shalt  }
0x4e: {  	_ =	shalt  }
0x4f: {  	_ =	shalt  }
0x50: {  	_ =	shalt  }
0x51: {  	_ =	shalt  }
0x52: {  	_ =	shalt  }
0x53: {  	_ =	shalt  }
0x54: {  	_ =	shalt  }
0x55: {  	_ =	shalt  }
0x56: {  	_ =	shalt  }
0x57: {  	_ =	shalt  }
0x58: {  	_ =	shalt  }
0x59: {  	_ =	shalt  }
0x5a: {  	_ =	shalt  }
0x5b: {  	_ =	shalt  }
0x5c: {  	_ =	shalt  }
0x5d: {  	_ =	shalt  }
0x5e: {  	_ =	shalt  }
0x5f: {  	_ =	shalt  }
0x60: {  	_ =	shalt  }
0x61: {  	_ =	shalt  }
0x62: {  	_ =	shalt  }
0x63: {  	_ =	shalt  }
0x64: {  	_ =	shalt  }
0x65: {  	_ =	shalt  }
0x66: {  	_ =	shalt  }
0x67: {  	_ =	shalt  }
0x68: {  	_ =	shalt  }
0x69: {  	_ =	shalt  }
0x6a: {  	_ =	shalt  }
0x6b: {  	_ =	shalt  }
0x6c: {  	_ =	shalt  }
0x6d: {  	_ =	shalt  }
0x6e: {  	_ =	shalt  }
0x6f: {  	_ =	shalt  }
0x70: {  	_ =	shalt  }
0x71: {  	_ =	shalt  }
0x72: {  	_ =	shalt  }
0x73: {  	_ =	shalt  }
0x74: {  	_ =	shalt  }
0x75: {  	_ =	shalt  }
0x76: {  	_ =	shalt  }
0x77: {  	_ =	shalt  }
0x78: {  	_ =	shalt  }
0x79: {  	_ =	shalt  }
0x7a: {  	_ =	shalt  }
0x7b: {  	_ =	shalt  }
0x7c: {  	_ =	shalt  }
0x7d: {  	_ =	shalt  }
0x7e: {  	_ =	shalt  }
0x7f: {  	_ =	shalt  }
0x80: {  	_ =	shalt  }
0x81: {  	_ =	shalt  }
0x82: {  	_ =	shalt  }
0x83: {  	_ =	shalt  }
0x84: {  	_ =	shalt  }
0x85: {  	_ =	shalt  }
0x86: {  	_ =	shalt  }
0x87: {  	_ =	shalt  }
.Lfunc_end0:
.L_simem_size_0:
called_computation_lowered:
.L_overlay_start_0:
0x88: {  	s2 =	sld [smem:$0x3FD9]  }
0x89: {  	s3 =	sld [smem:$0x3FFE];
	_ =	sdelay $0x1  }
0x8a: {  	s1 =	srdreg.scid  }
0x8b: {  	s0 =	sand.u32 $0x1, s1  }
0x8c: {  	s17 =	sshll.u32 s0, $0xA;
	s2 =	sadd.s32 s3, s2  }
0x8d: {  	s2 =	sadd.s32 s2, s17  }
0x8e: {  	[smem:$0x3FC3] =	sst s2  }
0x8f: {  	_ = 	snop  }
0x90: {  	s2 =	sld [smem:$0x3FC9]  }
0x91: {  	s18 =	sld [smem:$0x3FD0];
	(tm) =	ssettm $0x1  }
0x92: {  	s4 =	sld [smem:$0x3FFB];
	_ =	sdelay $0x3  }
0x93: {  	_ =	strace s4  }
0x94: {  	s4 =	sld [smem:$0x3FFC];
	_ =	sdelay $0x3  }
0x95: {  	_ =	strace s4  }
0x96: {  	s4 =	sld [smem:$0x3FFD];
	_ =	sdelay $0x3  }
0x97: {  	_ =	strace s4  }
0x98: {  	_ =	strace $0x8FFFFFFF  }
0x99: {  	s19 =	sld [smem:$0x3FDB];
	_ =	sdelay $0x1  }
0x9a: {  	s5 =	simm.s32 $_scs_section_size  }
0x9b: {  	s6 =	simm.s32 $_size__tile_overlayer_lowered;
	s7 =	simm.s32 $_tile_overlayer_lowered  }
0x9c: {  	s22 =	simm.s32 $0x1BFF;
	s21 =	sshll.u32 s7, $0x1;
	s4 =	sadd.s32 s5, s19  }
0x9d: {  	s8 =	simm.s32 $0x0;
	s20 =	sshll.u32 s6, $0x1;
	s6 =	sadd.s32 s21, s4  }
0x9e: {  	[timem:s8], [sflag:s22] =	dma.local [hbm:s6], s20  }
0x9f: {  	_ =	swait.ge [sflag:s22], s20  }
0xa0: {  	s5 =	ssub.s32 $0x0, s20;
	[sflag:s22] =	ssyncset.done $0x0  }
0xa1: {  	[sflag:s22] =	ssyncadd.s32 s5;
	_ =	sdelay $0x1  }
0xa2: {  	s23 =	simm.s32 $0x1B8B  }
0xa3: {  	_ =	swait.ge [sflag:s23], $0x1  }
0xa4: {  	[sflag:s23] =	ssyncset.done $0x0  }
0xa5: {  	s25 =	simm.s32 $0x1B8E;
	s24 =	sld [smem:$0x3FFE];
	[sflag:s23] =	ssyncadd.s32 $0xFFFFFFFF  }
0xa6: {  	s26 =	simm.s32 $execute0_lowered;
	[smem:$0x3FD2] =	sst s25  }
0xa7: {  	s6 =	sshll.u32 s26, $0x1;
	_ =	strace $0x80000046;
	[dreg:$0x1] =	wrdreg $0xFFFFFFFF  }
0xa8: {  	s28 =	simm.s32 $_size_execute0_lowered;
	s4 =	sadd.s32 s4, s6;
	[dreg:$0x0] =	wrdreg $0x0  }
0xa9: {  	s6 =	sshll.u32 s28, $0x1;
	[dreg:$0x2] =	wrdreg s4  }
0xaa: {  	[dreg:$0x3] =	wrdreg s6  }
0xab: {  	[dreg:$0x4] =	wrdreg $0xC0  }
0xac: {  	_ =	task [dreg:s8], $0x5FFFF  }
0xad: {  	[dreg:$0x1] =	wrdreg $0xFFFFFFFF  }
0xae: {  	[dreg:$0x0] =	wrdreg $0x60  }
0xaf: {  	[dreg:$0x2] =	wrdreg s2  }
0xb0: {  	[dreg:$0x3] =	wrdreg s18  }
0xb1: {  	[dreg:$0x4] =	wrdreg s24  }
0xb2: {  	[dreg:$0x5] =	wrdreg $0x9  }
0xb3: {  	_ =	task.clear_ibuf [dreg:s8], $0x6FFFF;
	_ =	strace $0x90000046  }
0xb4: {  	s29 =	simm.s32 $0x9;
	_ =	strace $0x80000048  }
0xb5: {  	_ =	swait.ge [sflag:s29], $0x1  }
0xb6: {  	[sflag:s29] =	ssyncadd.s32 $0xFFFFFFFF  }
0xb7: {  	_ =	strace $0x90000048  }
0xb8: {  	_ =	sfence  }
0xb9: {  	s30 =	sld [smem:$0x0];
	_ =	sdelay $0x2  }
0xba: {  	s31 =	sshll.u32 s1, $0xD;
	s1 =	sshrl.u32 s1, $0x2  }
0xbb: {  	s3 =	sand.u32 $0x4000, s31;
	s1 =	sadd.s32 s1, s30  }
0xbc: {  	s0 =	sor.u32 s3, s0;
	s1 =	sshll.u32 s1, $0x11  }
0xbd: {  	s0 =	sor.u32 s1, s0  }
0xbe: {  	s0 =	sadd.s32 $0x8F2B, s0  }
0xbf: {  	[sflag:s0] =	ssyncadd.remote.s32 $0x1  }
0xc0: {  	_ =	sfence.sel $0xFFFF  }
0xc1: {  	[dreg:$0x0] =	wrdreg $0xFFFFFFFF;
	(pc) =	sbr.abs _section_cstart, $3  }
0xc2: {  	[dreg:$0x1] =	wrdreg $0xFFFFFFFF  }
0xc3: {  	_ =	task.clear_ibuf [dreg:s8], $0x2FFFF;
	_ =	strace $0x9FFFFFFF  }
0xc4: {  	(tm) =	ssettm $0x7FFFFFFF  }
0xc5: {  	_ =	shalt  }
tec
execute0_lowered:
.L_overlay_start_1:
0x0: {  	(tag) =	ssettag $0x1  }
0x1: {  	s2 =	rddreg [dreg:$0x0]  }
0x2: {  	s5 =	rddreg [dreg:$0x1]  }
0x3: {  	s4 =	rddreg [dreg:$0x2]  }
0x4: {  	s0 =	rddreg [dreg:$0x3]  }
0x5: {  	s1 =	stileid.u32;
	s6 =	srdreg.scid  }
0x6: {  	s3 =	simm.s32 $0x0;
	s26 =	simm.s32 $0x70;
	s28 =	simm.s32 $0x1C0  }
0x7: {  	s29 =	simm.s32 $0x280;
	s30 =	simm.s32 $0x3A80;
	s31 =	simm.s32 $0x7280  }
0x8: {  	s11 =	simm.s32 $0x3;
	s12 =	simm.s32 $0x4;
	s13 =	simm.s32 $0x5  }
0x9: {  	s14 =	simm.s32 $0x6;
	s15 =	simm.s32 $0x0;
	[smem:$0x7FF] =	sst s3  }
0xa: {  	s7 =	smul.u32 $0x99200, s1;
	_ =	strace $0x80000047;
	[dreg:$0x5] =	wrdreg s26  }
0xb: {  	s6 =	sand.u32 $0x1, s6;
	s10 =	smul.u32 $0x9920, s1;
	[dreg:$0x4] =	wrdreg s28  }
0xc: {  	s8 =	ssub.s32 $0x2, s6;
	s9 =	smul.u32 $0x4C900, s6;
	[dreg:$0x7] =	wrdreg s29  }
0xd: {  	s6 =	smul.u32 $0x4C90, s6;
	[dreg:$0x8] =	wrdreg s30;
	s23 =	sshrl.u32 s8, $0x1  }
0xe: {  	[dreg:$0x9] =	wrdreg s31;
	s4 =	sadd.s32 s7, s4;
	s7 =	ssub.s32 s8, s23  }
0xf: {  	s24 =	sadd.s32 s9, s4;
	s6 =	sadd.s32 s6, s10;
	s8 =	simm.s32 $0x1  }
0x10: {  	s9 =	simm.s32 $0xAA80;
	s10 =	simm.s32 $0x2;
	s4 =	smax.u32 s7, $0x1  }
0x11: {  	s25 =	sadd.s32 $0x13400, s24;
	s6 =	sshrl.u32 s6, $0x3;
	s7 =	simm.s32 $0xE280  }
0x12: {  	[dreg:$0x6] =	wrdreg s25;
	s5 =	sadd.s32 s6, s5;
	s6 =	simm.s32 $0x7  }
.LBB2_1:
0x13: {  	[tilespmem:s3], [sflag:$0x7] =	stream.linear.gather [hbm4b:s5+s3], $0x230, $0x38;
	[tilespmem:$0x11A80] =	vst v63  }
0x14: {  	_ =	swait.ge [sflag:s6], $0x230  }
0x15: {  	p0 =	por $0x0, $0x0;
	[sflag:s6] =	ssyncset.done $0x0  }
0x16: {  	s16 =	simm.s32 @p0 $0x2;
	[sflag:s6] =	ssyncadd.s32 $0xFFFFFDD0  }
0x17: {  	_ =	swait.ge @p0 [sflag:s16], $0x3800  }
0x18: {  	s17 =	simm.s32 @p0 $0x70;
	s18 =	simm.s32 @p0 $0x0;
	[sflag:s16] =	ssyncset.done @p0 $0x0  }
0x19: {  	s19 =	simm.s32 @p0 $0x3;
	[sflag:s16] =	ssyncadd.s32 @p0 $0xFFFFC800;
	s16 =	simm.s32 @p0 $0x280  }
0x1a: {  	[tilespmem:s16], [sflag:$0x1] =	stream.indirect.gather @p0 [hbm4b:s2+s17], $0x80, s18, s17, $0xb8;
	[tilespmem:$0x11A80] =	vst v63  }
0x1b: {  	_ =	swait.ge @p0 [sflag:s19], $0x3800  }
0x1c: {  	[sflag:s19] =	ssyncset.done @p0 $0x0  }
0x1d: {  	s16 =	simm.s32 @p0 $0x3A80;
	s18 =	simm.s32 @p0 $0x4;
	[sflag:s19] =	ssyncadd.s32 @p0 $0xFFFFC800  }
0x1e: {  	[tilespmem:s16], [sflag:$0x1] =	stream.indirect.gather @p0 [hbm4b:s2+s17], $0x80, s17, s17, $0xb8;
	[tilespmem:$0x11A80] =	vst v63  }
0x1f: {  	_ =	swait.ge @p0 [sflag:s18], $0x3800  }
0x20: {  	s19 =	simm.s32 @p0 $0x7280;
	[sflag:s18] =	ssyncset.done @p0 $0x0  }
0x21: {  	s16 =	simm.s32 @p0 $0x5;
	[sflag:s18] =	ssyncadd.s32 @p0 $0xFFFFC800;
	s18 =	simm.s32 @p0 $0xE0  }
0x22: {  	[tilespmem:s19], [sflag:$0x1] =	stream.indirect.gather @p0 [hbm4b:s2+s17], $0x80, s18, s17, $0xb8;
	[tilespmem:$0x11A80] =	vst v63  }
0x23: {  	_ =	swait.ge @p0 [sflag:s16], $0x3800  }
0x24: {  	s18 =	simm.s32 @p0 $0x6;
	[sflag:s16] =	ssyncset.done @p0 $0x0  }
0x25: {  	s19 =	simm.s32 @p0 $0xAA80;
	[sflag:s16] =	ssyncadd.s32 @p0 $0xFFFFC800;
	s16 =	simm.s32 @p0 $0x150  }
0x26: {  	[tilespmem:s19], [sflag:$0x1] =	stream.indirect.gather @p0 [hbm4b:s2+s17], $0x80, s16, s17, $0xb8;
	[tilespmem:$0x11A80] =	vst v63  }
0x27: {  	_ =	swait.ge @p0 [sflag:s18], $0x3800  }
0x28: {  	s16 =	simm.s32 @!p0 $0x280;
	[sflag:s18] =	ssyncset.done @p0 $0x0  }
0x29: {  	s17 =	simm.s32 @!p0 $0x70;
	[sflag:s18] =	ssyncadd.s32 @p0 $0xFFFFC800;
	s18 =	simm.s32 @!p0 $0x0  }
0x2a: {  	[tilespmem:s16], [sflag:$0x1] =	stream.indirect.gather @!p0 [hbm4b:s2+s17], $0x80, s18, s17, $0xb8;
	[tilespmem:$0x11A80] =	vst v63  }
0x2b: {  	s16 =	simm.s32 @!p0 $0x3A80  }
0x2c: {  	[tilespmem:s16], [sflag:$0x1] =	stream.indirect.gather @!p0 [hbm4b:s2+s17], $0x80, s17, s17, $0xb8;
	[tilespmem:$0x11A80] =	vst v63  }
0x2d: {  	s18 =	simm.s32 @!p0 $0x7280;
	s16 =	simm.s32 @!p0 $0xE0  }
0x2e: {  	[tilespmem:s18], [sflag:$0x1] =	stream.indirect.gather @!p0 [hbm4b:s2+s17], $0x80, s16, s17, $0xb8;
	[tilespmem:$0x11A80] =	vst v63  }
0x2f: {  	s22 =	rddreg [dreg:$0x5];
	s16 =	simm.s32 @!p0 $0x150;
	s18 =	simm.s32 @!p0 $0xAA80  }
0x30: {  	[tilespmem:s18], [sflag:$0x1] =	stream.indirect.gather @!p0 [hbm4b:s2+s17], $0x80, s16, s17, $0xb8;
	[tilespmem:$0x11A80] =	vst v63  }
0x31: {  	s20 =	rddreg [dreg:$0x4]  }
0x32: {  	[tilespmem:s7], [sflag:$0x1] =	stream.indirect.gather [hbm4b:s2+s22], $0x80, s20, s22, $0xb8;
	[tilespmem:$0x11A80] =	vst v63  }
0x33: {  	_ =	swait.ge [sflag:s8], $0x3800  }
0x34: {  	s23 =	rddreg [dreg:$0x6];
	[sflag:s8] =	ssyncset.done $0x0  }
0x35: {  	s24 =	rddreg [dreg:$0x7];
	[sflag:s8] =	ssyncadd.s32 $0xFFFFC800;
	s25 =	sadd.s32 $0x0, s23  }
0x36: {  	[hbm4b:s25+s3] =	stream.linear.scatter [tilespmem:s24], [sflag:$0x2], $0x3800, $0x38;
	[tilespmem:$0x11A80] =	vst v63  }
0x37: {  	_ =	swait.ge [sflag:s8], $0x3800  }
0x38: {  	[sflag:s8] =	ssyncset.done $0x0  }
0x39: {  	s28 =	sadd.s32 $0x700, s25;
	s26 =	rddreg [dreg:$0x8];
	[sflag:s8] =	ssyncadd.s32 $0xFFFFC800  }
0x3a: {  	[hbm4b:s28+s3] =	stream.linear.scatter [tilespmem:s26], [sflag:$0x3], $0x3800, $0x38;
	[tilespmem:$0x11A80] =	vst v63  }
0x3b: {  	_ =	swait.ge [sflag:s8], $0x3800  }
0x3c: {  	[sflag:s8] =	ssyncset.done $0x0  }
0x3d: {  	s30 =	sadd.s32 $0xE00, s25;
	s29 =	rddreg [dreg:$0x9];
	[sflag:s8] =	ssyncadd.s32 $0xFFFFC800  }
0x3e: {  	[hbm4b:s30+s3] =	stream.linear.scatter [tilespmem:s29], [sflag:$0x4], $0x3800, $0x38;
	[tilespmem:$0x11A80] =	vst v63  }
0x3f: {  	_ =	swait.ge [sflag:s8], $0x3800  }
0x40: {  	[sflag:s8] =	ssyncset.done $0x0  }
0x41: {  	s31 =	sadd.s32 $0x1500, s25;
	[sflag:s8] =	ssyncadd.s32 $0xFFFFC800  }
0x42: {  	[hbm4b:s31+s3] =	stream.linear.scatter [tilespmem:s9], [sflag:$0x5], $0x3800, $0x38;
	[tilespmem:$0x11A80] =	vst v63  }
0x43: {  	_ =	swait.ge [sflag:s8], $0x3800  }
0x44: {  	s16 =	simm.s32 $0x2300;
	[sflag:s8] =	ssyncset.done $0x0  }
0x45: {  	s17 =	sadd.s32 $0x46, s5;
	s18 =	sadd.s32 $0x1C00, s25;
	[sflag:s8] =	ssyncadd.s32 $0xFFFFC800  }
.LBB2_2:
0x46: {  	[hbm4b:s18+s3] =	stream.linear.scatter [tilespmem:s7], [sflag:$0x6], $0x3800, $0x38;
	[tilespmem:$0x11A80] =	vst v63  }
0x47: {  	_ = 	snop  }
0x48: {  	[tilespmem:s3], [sflag:$0x7] =	stream.linear.gather [hbm4b:s17+s3], $0x230, $0x38;
	[tilespmem:$0x11A80] =	vst v63  }
0x49: {  	s30 =	smov.u32 s16;
	_ =	swait.ge [sflag:s6], $0x230  }
0x4a: {  	p1 =	sne.s32 s30, $0x0;
	[sflag:s6] =	ssyncset.done $0x0  }
0x4b: {  	s19 =	simm.s32 @p1 $0x2;
	[sflag:s6] =	ssyncadd.s32 $0xFFFFFDD0  }
0x4c: {  	_ =	swait.ge @p1 [sflag:s19], $0x3800  }
0x4d: {  	s20 =	simm.s32 @p1 $0x70;
	s21 =	simm.s32 @p1 $0x0;
	[sflag:s19] =	ssyncset.done @p1 $0x0  }
0x4e: {  	s22 =	simm.s32 @p1 $0x3;
	[sflag:s19] =	ssyncadd.s32 @p1 $0xFFFFC800;
	s19 =	simm.s32 @p1 $0x280  }
0x4f: {  	[tilespmem:s19], [sflag:$0x1] =	stream.indirect.gather @p1 [hbm4b:s2+s20], $0x80, s21, s20, $0xb8;
	[tilespmem:$0x11A80] =	vst v63  }
0x50: {  	_ =	swait.ge @p1 [sflag:s22], $0x3800  }
0x51: {  	[sflag:s22] =	ssyncset.done @p1 $0x0  }
0x52: {  	s19 =	simm.s32 @p1 $0x3A80;
	s21 =	simm.s32 @p1 $0x4;
	[sflag:s22] =	ssyncadd.s32 @p1 $0xFFFFC800  }
0x53: {  	[tilespmem:s19], [sflag:$0x1] =	stream.indirect.gather @p1 [hbm4b:s2+s20], $0x80, s20, s20, $0xb8;
	[tilespmem:$0x11A80] =	vst v63  }
0x54: {  	_ =	swait.ge @p1 [sflag:s21], $0x3800  }
0x55: {  	s22 =	simm.s32 @p1 $0x7280;
	[sflag:s21] =	ssyncset.done @p1 $0x0  }
0x56: {  	s19 =	simm.s32 @p1 $0x5;
	[sflag:s21] =	ssyncadd.s32 @p1 $0xFFFFC800;
	s21 =	simm.s32 @p1 $0xE0  }
0x57: {  	[tilespmem:s22], [sflag:$0x1] =	stream.indirect.gather @p1 [hbm4b:s2+s20], $0x80, s21, s20, $0xb8;
	[tilespmem:$0x11A80] =	vst v63  }
0x58: {  	_ =	swait.ge @p1 [sflag:s19], $0x3800  }
0x59: {  	s21 =	simm.s32 @p1 $0x6;
	[sflag:s19] =	ssyncset.done @p1 $0x0  }
0x5a: {  	s22 =	simm.s32 @p1 $0xAA80;
	[sflag:s19] =	ssyncadd.s32 @p1 $0xFFFFC800;
	s19 =	simm.s32 @p1 $0x150  }
0x5b: {  	[tilespmem:s22], [sflag:$0x1] =	stream.indirect.gather @p1 [hbm4b:s2+s20], $0x80, s19, s20, $0xb8;
	[tilespmem:$0x11A80] =	vst v63  }
0x5c: {  	_ =	swait.ge @p1 [sflag:s21], $0x3800  }
0x5d: {  	s19 =	simm.s32 @!p1 $0x280;
	[sflag:s21] =	ssyncset.done @p1 $0x0  }
0x5e: {  	s20 =	simm.s32 @!p1 $0x70;
	[sflag:s21] =	ssyncadd.s32 @p1 $0xFFFFC800;
	s21 =	simm.s32 @!p1 $0x0  }
0x5f: {  	[tilespmem:s19], [sflag:$0x1] =	stream.indirect.gather @!p1 [hbm4b:s2+s20], $0x80, s21, s20, $0xb8;
	[tilespmem:$0x11A80] =	vst v63  }
0x60: {  	s19 =	simm.s32 @!p1 $0x3A80  }
0x61: {  	[tilespmem:s19], [sflag:$0x1] =	stream.indirect.gather @!p1 [hbm4b:s2+s20], $0x80, s20, s20, $0xb8;
	[tilespmem:$0x11A80] =	vst v63  }
0x62: {  	s21 =	simm.s32 @!p1 $0x7280;
	s19 =	simm.s32 @!p1 $0xE0  }
0x63: {  	[tilespmem:s21], [sflag:$0x1] =	stream.indirect.gather @!p1 [hbm4b:s2+s20], $0x80, s19, s20, $0xb8;
	[tilespmem:$0x11A80] =	vst v63  }
0x64: {  	s31 =	rddreg [dreg:$0x5];
	s19 =	simm.s32 @!p1 $0x150;
	s21 =	simm.s32 @!p1 $0xAA80  }
0x65: {  	[tilespmem:s21], [sflag:$0x1] =	stream.indirect.gather @!p1 [hbm4b:s2+s20], $0x80, s19, s20, $0xb8;
	[tilespmem:$0x11A80] =	vst v63  }
0x66: {  	s23 =	rddreg [dreg:$0x4]  }
0x67: {  	[tilespmem:s7], [sflag:$0x1] =	stream.indirect.gather [hbm4b:s2+s31], $0x80, s23, s31, $0xb8;
	[tilespmem:$0x11A80] =	vst v63  }
0x68: {  	_ =	swait.ge [sflag:s8], $0x3800  }
0x69: {  	s24 =	rddreg [dreg:$0x6];
	[sflag:s8] =	ssyncset.done $0x0  }
0x6a: {  	s25 =	rddreg [dreg:$0x7];
	[sflag:s8] =	ssyncadd.s32 $0xFFFFC800;
	s18 =	sadd.s32 s30, s24  }
0x6b: {  	[hbm4b:s18+s3] =	stream.linear.scatter [tilespmem:s25], [sflag:$0x2], $0x3800, $0x38;
	[tilespmem:$0x11A80] =	vst v63  }
0x6c: {  	_ =	swait.ge [sflag:s8], $0x3800  }
0x6d: {  	[sflag:s8] =	ssyncset.done $0x0  }
0x6e: {  	s28 =	sadd.s32 $0x700, s18;
	s26 =	rddreg [dreg:$0x8];
	[sflag:s8] =	ssyncadd.s32 $0xFFFFC800  }
0x6f: {  	[hbm4b:s28+s3] =	stream.linear.scatter [tilespmem:s26], [sflag:$0x3], $0x3800, $0x38;
	[tilespmem:$0x11A80] =	vst v63  }
0x70: {  	_ =	swait.ge [sflag:s8], $0x3800  }
0x71: {  	[sflag:s8] =	ssyncset.done $0x0  }
0x72: {  	s30 =	sadd.s32 $0xE00, s18;
	s29 =	rddreg [dreg:$0x9];
	[sflag:s8] =	ssyncadd.s32 $0xFFFFC800  }
0x73: {  	[hbm4b:s30+s3] =	stream.linear.scatter [tilespmem:s29], [sflag:$0x4], $0x3800, $0x38;
	[tilespmem:$0x11A80] =	vst v63  }
0x74: {  	s16 =	sadd.s32 $0x2300, s16;
	_ =	swait.ge [sflag:s8], $0x3800  }
0x75: {  	p0 =	sne.s32 s16, $0x4C900;
	[sflag:s8] =	ssyncset.done $0x0  }
.Ltmp0:
0x76: {  	s31 =	sadd.s32 $0x1500, s18;
	[sflag:s8] =	ssyncadd.s32 $0xFFFFC800;
	(pc) =	sbr.rel @p0 .LBB2_2-.Ltmp0, $4  }
0x77: {  	[hbm4b:s31+s3] =	stream.linear.scatter [tilespmem:s9], [sflag:$0x5], $0x3800, $0x38;
	[tilespmem:$0x11A80] =	vst v63  }
0x78: {  	_ =	swait.ge [sflag:s8], $0x3800  }
0x79: {  	[sflag:s8] =	ssyncset.done $0x0  }
0x7a: {  	s17 =	sadd.s32 $0x46, s17;
	s18 =	sadd.s32 $0x1C00, s18;
	[sflag:s8] =	ssyncadd.s32 $0xFFFFC800  }
0x7b: {  	[hbm4b:s18+s3] =	stream.linear.scatter [tilespmem:s7], [sflag:$0x6], $0x3800, $0x38;
	[tilespmem:$0x11A80] =	vst v63  }
0x7c: {  	_ =	swait.ge [sflag:s10], $0x3800  }
0x7d: {  	[sflag:s10] =	ssyncset.done $0x0  }
0x7e: {  	[sflag:s10] =	ssyncadd.s32 $0xFFFFC800  }
0x7f: {  	_ =	swait.ge [sflag:s11], $0x3800  }
0x80: {  	[sflag:s11] =	ssyncset.done $0x0  }
0x81: {  	[sflag:s11] =	ssyncadd.s32 $0xFFFFC800  }
0x82: {  	_ =	swait.ge [sflag:s12], $0x3800  }
0x83: {  	[sflag:s12] =	ssyncset.done $0x0  }
0x84: {  	s15 =	sadd.s32 $0x1, s15;
	[sflag:s12] =	ssyncadd.s32 $0xFFFFC800  }
0x85: {  	p0 =	sne.s32 s15, s4;
	_ =	swait.ge [sflag:s13], $0x3800  }
.Ltmp1:
0x86: {  	[sflag:s13] =	ssyncset.done $0x0;
	(pc) =	sbr.rel @p0 .LBB2_1-.Ltmp1, $4  }
0x87: {  	[sflag:s13] =	ssyncadd.s32 $0xFFFFC800  }
0x88: {  	_ =	swait.ge [sflag:s14], $0x3800  }
0x89: {  	[sflag:s14] =	ssyncset.done $0x0  }
0x8a: {  	[sflag:s14] =	ssyncadd.s32 $0xFFFFC800  }
0x8b: {  	_ =	sfence.sel $0x180000  }
0x8c: {  	[bflag:$0x0] =	sbarrier.arrive $0xFFFF  }
0x8d: {  	p0 =	sne.s32 s1, $0x0;
	_ =	strace $0x90000047  }
0x8e: {  	s0 =	sadd.s32 @!p0 $0x100000, s0;
	[bflag:$0x2] =	sbarrier.arrive $0xFFFF  }
0x8f: {  	[sflag:s0] =	ssyncadd.tile.s32 @!p0 $0x1;
	_ =	shalt  }
.Lfunc_end2:
_tile_overlayer_lowered:
.L_overlay_start_2:
0x90: {  	(tag) =	ssettag $0x2  }
0x91: {  	s0 =	rddreg [dreg:$0x0];
	s2 =	stileid.u32  }
0x92: {  	s1 =	rddreg [dreg:$0x1];
	p0 =	sne.s32 s2, $0x0  }
0x93: {  	s3 =	rddreg [dreg:$0x2];
	[bflag:$0x3] =	sbarrier.arrive $0xFFFF;
	s2 =	simm.s32 @!p0 $0x1C07  }
0x94: {  	[timem:s3], [sflag:s2] =	dma.local @!p0 [hbm:s0], s1  }
0x95: {  	s0 =	simm.s32 @!p0 $0x7  }
0x96: {  	_ =	swait.ge @!p0 [sflag:s0], s1  }
0x97: {  	s1 =	ssub.s32 @!p0 $0x0, s1;
	[sflag:s0] =	ssyncset.done @!p0 $0x0  }
0x98: {  	[sflag:s0] =	ssyncadd.s32 @!p0 s1  }
0x99: {  	[bflag:$0x3] =	sbarrier.arrive $0xFFFF  }
0x9a: {  	_ =	shalt  }

</sc_bundles>
